<compile_context>
chip_gen: v7x
topology: tpu7x:2x2x1
jax: 0.10.2.dev20260603
libtpu: 0.0.44.dev20260713+nightly
codegen_flags: <defaults>
</compile_context>

<pallas_src>
import functools

import jax
import jax.numpy as jnp
from jax import lax
from jax.experimental import pallas as pl
from jax.experimental.pallas import tpu as pltpu
from jax.experimental.pallas import tpu_sc as plsc

_N = 10000
_E = 320000
_CH = 128
_K = 80
_K0 = 80
_K1 = 80
_NW = 32
_EPAD = _NW * _K * _CH
_ROWS = _EPAD // 128
_HALF = _N + 48
_AGG1 = 2 * _HALF
_AGG2 = _N + 112



def _tc_a_body(x_ref, w1_ref, ei_ref, rev_ref, yn_ref, g1_ref, s1_ref, g2_ref):
    yn_ref[0:_N, 0:64] = jnp.dot(x_ref[...], w1_ref[...],
                                 preferred_element_type=jnp.float32)
    src = ei_ref[0]
    dst = ei_ref[1]
    rev = rev_ref[...]
    g1_ref[...] = src * 8 + rev
    s1_ref[...] = dst + _HALF * rev
    g2_ref[...] = src * 8 + 1


def _tc_a(x, w1, eip, revp):
    return pl.pallas_call(
        _tc_a_body,
        out_shape=[
            jax.ShapeDtypeStruct((_N, 128), jnp.float32),
            jax.ShapeDtypeStruct((_ROWS, 128), jnp.int32),
            jax.ShapeDtypeStruct((_ROWS, 128), jnp.int32),
            jax.ShapeDtypeStruct((_ROWS, 128), jnp.int32),
        ],
    )(x, w1, eip, revp)


def _tc_c_body(yn_ref, a_ref, bst_ref, bts_ref, ws2_ref, wn2_ref, z_ref):
    a_st = a_ref[0:_N, 0:16] + a_ref[0:_N, 16:32]
    a_ts = (a_ref[_HALF:_HALF + _N, 0:16]
            + a_ref[_HALF:_HALF + _N, 16:32])
    h_st = jnp.maximum(yn_ref[0:_N, 32:48] + a_st + bst_ref[...], 0.0)
    h_ts = jnp.maximum(yn_ref[0:_N, 48:64] + a_ts + bts_ref[...], 0.0)
    ws2 = ws2_ref[...]
    wn2 = wn2_ref[...]
    z_ref[0:_N, 0:16] = (
        jnp.dot(h_st, ws2[0:16], preferred_element_type=jnp.float32)
        + jnp.dot(h_ts, ws2[16:32], preferred_element_type=jnp.float32))
    z_ref[0:_N, 16:32] = (
        jnp.dot(h_st, wn2[0:16], preferred_element_type=jnp.float32)
        + jnp.dot(h_ts, wn2[16:32], preferred_element_type=jnp.float32))


def _tc_c(yn, agg1, bst, bts, ws2, wn2):
    return pl.pallas_call(
        _tc_c_body,
        out_shape=jax.ShapeDtypeStruct((_N, 128), jnp.float32),
    )(yn, agg1, bst, bts, ws2, wn2)


def _tc_e_body(z_ref, a_ref, b_ref, out_ref):
    h = (z_ref[0:_N, 0:16] + a_ref[0:_N, 0:16] + a_ref[0:_N, 16:32]
         + b_ref[...])
    m = jnp.max(h, axis=1, keepdims=True)
    e = jnp.exp(h - m)
    lse = m + jnp.log(jnp.sum(e, axis=1, keepdims=True))
    out_ref[...] = h - lse


def _tc_e(z, agg2, b2):
    return pl.pallas_call(
        _tc_e_body,
        out_shape=jax.ShapeDtypeStruct((_N, 16), jnp.float32),
    )(z, agg2, b2)



def _sc_segsum(table, gidx, sidx, zeros, agg_rows):
    rpt = agg_rows // 16
    kmax = max(_K0, _K1)
    mesh = plsc.VectorSubcoreMesh(core_axis_name="c", subcore_axis_name="s")

    @functools.partial(
        pl.kernel,
        out_type=jax.ShapeDtypeStruct((agg_rows, 128), jnp.float32),
        mesh=mesh,
        scratch_types=[
            pltpu.VMEM((kmax, _CH), jnp.int32),
            pltpu.VMEM((kmax, _CH), jnp.int32),
            pltpu.VMEM((_CH, 16), jnp.float32),
            pltpu.VMEM((_CH, 16), jnp.float32),
            pltpu.VMEM_SHARED((agg_rows, 16), jnp.float32),
            pltpu.SemaphoreType.DMA,
            pltpu.SemaphoreType.DMA,
        ],
        compiler_params=pltpu.CompilerParams(use_tc_tiling_on_sc=False),
    )
    def k(table_hbm, gidx_hbm, sidx_hbm, zeros_hbm, out_hbm,
          gidx_v, sidx_v, v0, v1, agg_sh, sem0, sem1):
        c = lax.axis_index("c")
        s = lax.axis_index("s")
        kc = _K0 + c * (_K1 - _K0)
        base = c * 16 * _K0 + s * kc
        pltpu.sync_copy(gidx_hbm.at[pl.ds(base, kmax)], gidx_v)
        pltpu.sync_copy(sidx_hbm.at[pl.ds(base, kmax)], sidx_v)
        pltpu.sync_copy(zeros_hbm.at[pl.ds(s * rpt, rpt)],
                        agg_sh.at[pl.ds(s * rpt, rpt)])
        plsc.subcore_barrier()

        def start(j, buf, sem):
            pltpu.async_copy(table_hbm.at[gidx_v.at[j]], buf, sem)

        def finish(j, buf, sem):
            pltpu.make_async_copy(table_hbm.at[gidx_v.at[j]], buf, sem).wait()
            pltpu.sync_copy(buf, agg_sh.at[sidx_v.at[j]], add=True)

        start(0, v0, sem0)
        start(1, v1, sem1)

        def body(i, carry):
            j = i * 2
            finish(j, v0, sem0)
            start(j + 2, v0, sem0)
            finish(j + 1, v1, sem1)
            start(j + 3, v1, sem1)
            return carry

        lax.fori_loop(0, kc // 2 - 1, body, 0)
        finish(kc - 2, v0, sem0)
        finish(kc - 1, v1, sem1)
        plsc.subcore_barrier()
        pltpu.sync_copy(agg_sh.at[pl.ds(s * rpt, rpt)],
                        out_hbm.at[pl.ds(s * rpt, rpt), pl.ds(c * 16, 16)])

    return k(table, gidx, sidx, zeros)



def kernel(x, edge_index, is_reversed, Ws_st1, Wn_st1, b_st1,
           Ws_ts1, Wn_ts1, b_ts1, Ws_2, Wn_2, b_2):
    rev = is_reversed.astype(jnp.int32)
    pad = _EPAD - _E
    pad_i = jnp.arange(pad, dtype=jnp.int32)
    ei_pad = jnp.stack([pad_i % _N, _N + (pad_i % 48)])
    eip = jnp.concatenate([edge_index, ei_pad], axis=1).reshape(2, _ROWS, 128)
    revp = jnp.pad(rev, (0, pad)).reshape(_ROWS, 128)

    w1 = jnp.concatenate([Wn_st1, Wn_ts1, Ws_st1, Ws_ts1], axis=1)
    yn, g1, s1, g2 = _tc_a(x, w1, eip, revp)

    agg1 = _sc_segsum(yn.reshape(8 * _N, 16), g1, s1,
                      jnp.zeros((_AGG1, 16), jnp.float32), _AGG1)
    z = _tc_c(yn, agg1,
              b_st1.reshape(1, 16), b_ts1.reshape(1, 16), Ws_2, Wn_2)

    agg2 = _sc_segsum(z.reshape(8 * _N, 16), g2, eip[1],
                      jnp.zeros((_AGG2, 16), jnp.float32), _AGG2)
    return _tc_e(z, agg2, b_2.reshape(1, 16))

# --- scband reference (transcript-rebuilt; emitter-appended) ---
"""Pipeline reference for scband-bi-model-584115552926 (READ-ONLY COPY).

The authoritative reference and input builder live on the scoring server;
editing this copy changes nothing except your own understanding.
"""

import jax, jax.numpy as jnp
import numpy as np

N = 10000
E = 320000
D_FEAT = 128
C_ST = 16
C_TS = 16
N_CLASSES = 16

def _glorot(key, shape):
    fan_in, fan_out = shape
    lim = (6.0 / (fan_in + fan_out)) ** 0.5
    return jax.random.uniform(key, shape, dtype=jnp.float32, minval=-lim, maxval=lim)

def setup_inputs(seed: int = 0):
    key = jax.random.key(seed)
    ks = jax.random.split(key, 12)
    x = jax.random.normal(ks[0], (N, D_FEAT), dtype=jnp.float32)
    edge_index = jax.random.randint(ks[1], (2, E), 0, N, dtype=jnp.int32)
    is_reversed = jax.random.bernoulli(ks[2], 0.5, (E,))
    return {
        "x": x,
        "edge_index": edge_index,
        "is_reversed": is_reversed,
        "Ws_st1": _glorot(ks[3], (D_FEAT, C_ST)),
        "Wn_st1": _glorot(ks[4], (D_FEAT, C_ST)),
        "b_st1": jnp.zeros((C_ST,), dtype=jnp.float32),
        "Ws_ts1": _glorot(ks[5], (D_FEAT, C_TS)),
        "Wn_ts1": _glorot(ks[6], (D_FEAT, C_TS)),
        "b_ts1": jnp.zeros((C_TS,), dtype=jnp.float32),
        "Ws_2": _glorot(ks[7], (C_ST + C_TS, N_CLASSES)),
        "Wn_2": _glorot(ks[8], (C_ST + C_TS, N_CLASSES)),
        "b_2": jnp.zeros((N_CLASSES,), dtype=jnp.float32),
    }

def _graph_conv(x, edge_index, Ws, Wn, b):
    # PyG GraphConv semantics: root weight + sum-aggregated neighbor messages
    src = edge_index[0]
    dst = edge_index[1]
    agg = jax.ops.segment_sum(x[src], dst, num_segments=N)
    return x @ Ws + agg @ Wn + b

def reference(x, edge_index, is_reversed, Ws_st1, Wn_st1, b_st1, Ws_ts1, Wn_ts1, b_ts1, Ws_2, Wn_2, b_2):
    # st_edges = edge_index.t()[1 - is_reversed].t(); ts_edges = edge_index.t()[is_reversed].t()
    st_mask = jnp.logical_not(is_reversed)
    ts_mask = is_reversed
    st_edges = jnp.stack([edge_index[0], jnp.where(st_mask, edge_index[1], N)])
    ts_edges = jnp.stack([edge_index[0], jnp.where(ts_mask, edge_index[1], N)])
    st_h1 = jax.nn.relu(_graph_conv(x, st_edges, Ws_st1, Wn_st1, b_st1))
    ts_h1 = jax.nn.relu(_graph_conv(x, ts_edges, Ws_ts1, Wn_ts1, b_ts1))
    h1 = jnp.concatenate([st_h1, ts_h1], axis=1)
    # dropout is identity in eval mode
    h2 = _graph_conv(h1, edge_index, Ws_2, Wn_2, b_2)
    return jax.nn.log_softmax(h2, axis=1)

if __name__ == "__main__":
    import jax
    _d = setup_inputs()
    print(jax.jit(kernel)(*tuple(_d.values())))

</pallas_src>

<mosaic_0001>
#map = affine_map<(d0, d1) -> (0, 0)>
module attributes {stable_mosaic.version = 14 : i64} {
  func.func @k(%arg0: i32, %arg1: i32, %arg2: memref<80000x16xf32, #tpu.memory_space<hbm>>, %arg3: memref<2560x128xi32, #tpu.memory_space<hbm>>, %arg4: memref<2560x128xi32, #tpu.memory_space<hbm>>, %arg5: memref<10112x16xf32, #tpu.memory_space<hbm>>, %arg6: memref<10112x128xf32, #tpu.memory_space<hbm>>, %arg7: memref<80x128xi32, #tpu.memory_space<vmem>>, %arg8: memref<80x128xi32, #tpu.memory_space<vmem>>, %arg9: memref<128x16xf32, #tpu.memory_space<vmem>>, %arg10: memref<128x16xf32, #tpu.memory_space<vmem>>, %arg11: memref<10112x16xf32, #tpu.memory_space<vmem_shared>>, %arg12: memref<!tpu.dma_semaphore, #tpu.memory_space<semaphore_mem>>, %arg13: memref<!tpu.dma_semaphore, #tpu.memory_space<semaphore_mem>>) attributes {dimension_semantics = [#tpu.dimension_semantics<core_parallel>, #tpu.dimension_semantics<subcore_parallel>], iteration_bounds = array<i64: 2, 16>, scalar_prefetch = 0 : i64, scratch_operands = 7 : i64, tpu.core_type = #tpu.core_type<sc_vector_subcore>, window_params = [{transform_indices = #map}, {transform_indices = #map}, {transform_indices = #map}, {transform_indices = #map}, {transform_indices = #map}]} {
    %mul3A = arith.constant 0 : i32
    %mul3A_0 = arith.muli %arg0, %mul3A : i32
    %add3A = arith.constant 80 : i32
    %add3A_1 = arith.addi %add3A, %mul3A_0 : i32
    %mul3A_2 = arith.constant 16 : i32
    %mul3A_3 = arith.muli %arg0, %mul3A_2 : i32
    %mul3A_4 = arith.constant 80 : i32
    %mul3A_5 = arith.muli %mul3A_3, %mul3A_4 : i32
    %mul3A_6 = arith.muli %arg1, %add3A_1 : i32
    %add3A_7 = arith.addi %mul3A_5, %mul3A_6 : i32
    "tpu.region"() ({
      %run_scoped3A = tpu.sem_alloc : memref<!tpu.dma_semaphore, #tpu.memory_space<semaphore_mem>>
      %dma_start3A_74 = arith.constant 0 : i32
      %dma_start3A_75 = tpu.memref_slice %arg3[%add3A_7, %dma_start3A_74] : memref<2560x128xi32, #tpu.memory_space<hbm>> -> memref<80x128xi32, #tpu.memory_space<hbm>>
      %dma_start3A_76 = arith.constant 0 : i32
      %dma_start3A_77 = tpu.memref_slice %arg3[%add3A_7, %dma_start3A_76] : memref<2560x128xi32, #tpu.memory_space<hbm>> -> memref<80x128xi32, #tpu.memory_space<hbm>>
      tpu.enqueue_dma source(%dma_start3A_77 : memref<80x128xi32, #tpu.memory_space<hbm>>) target(%arg7 : memref<80x128xi32, #tpu.memory_space<vmem>>) target_semaphore(%run_scoped3A : memref<!tpu.dma_semaphore, #tpu.memory_space<semaphore_mem>>)
      %dma_wait3A_78 = arith.constant 0 : i32
      %dma_wait3A_79 = tpu.memref_slice %arg3[%add3A_7, %dma_wait3A_78] : memref<2560x128xi32, #tpu.memory_space<hbm>> -> memref<80x128xi32, #tpu.memory_space<hbm>>
      %dma_wait3A_80 = arith.constant 0 : i32
      %dma_wait3A_81 = tpu.memref_slice %arg3[%add3A_7, %dma_wait3A_80] : memref<2560x128xi32, #tpu.memory_space<hbm>> -> memref<80x128xi32, #tpu.memory_space<hbm>>
      tpu.wait_dma2 semaphore(%run_scoped3A : memref<!tpu.dma_semaphore, #tpu.memory_space<semaphore_mem>>) src(%dma_wait3A_81 : memref<80x128xi32, #tpu.memory_space<hbm>>) dst(%arg7 : memref<80x128xi32, #tpu.memory_space<vmem>>)
      tpu.yield
    }) : () -> ()
    "tpu.region"() ({
      %run_scoped3A = tpu.sem_alloc : memref<!tpu.dma_semaphore, #tpu.memory_space<semaphore_mem>>
      %dma_start3A_74 = arith.constant 0 : i32
      %dma_start3A_75 = tpu.memref_slice %arg4[%add3A_7, %dma_start3A_74] : memref<2560x128xi32, #tpu.memory_space<hbm>> -> memref<80x128xi32, #tpu.memory_space<hbm>>
      %dma_start3A_76 = arith.constant 0 : i32
      %dma_start3A_77 = tpu.memref_slice %arg4[%add3A_7, %dma_start3A_76] : memref<2560x128xi32, #tpu.memory_space<hbm>> -> memref<80x128xi32, #tpu.memory_space<hbm>>
      tpu.enqueue_dma source(%dma_start3A_77 : memref<80x128xi32, #tpu.memory_space<hbm>>) target(%arg8 : memref<80x128xi32, #tpu.memory_space<vmem>>) target_semaphore(%run_scoped3A : memref<!tpu.dma_semaphore, #tpu.memory_space<semaphore_mem>>)
      %dma_wait3A_78 = arith.constant 0 : i32
      %dma_wait3A_79 = tpu.memref_slice %arg4[%add3A_7, %dma_wait3A_78] : memref<2560x128xi32, #tpu.memory_space<hbm>> -> memref<80x128xi32, #tpu.memory_space<hbm>>
      %dma_wait3A_80 = arith.constant 0 : i32
      %dma_wait3A_81 = tpu.memref_slice %arg4[%add3A_7, %dma_wait3A_80] : memref<2560x128xi32, #tpu.memory_space<hbm>> -> memref<80x128xi32, #tpu.memory_space<hbm>>
      tpu.wait_dma2 semaphore(%run_scoped3A : memref<!tpu.dma_semaphore, #tpu.memory_space<semaphore_mem>>) src(%dma_wait3A_81 : memref<80x128xi32, #tpu.memory_space<hbm>>) dst(%arg8 : memref<80x128xi32, #tpu.memory_space<vmem>>)
      tpu.yield
    }) : () -> ()
    %mul3A_8 = arith.constant 632 : i32
    %mul3A_9 = arith.muli %arg1, %mul3A_8 : i32
    %mul3A_10 = arith.constant 632 : i32
    %mul3A_11 = arith.muli %arg1, %mul3A_10 : i32
    "tpu.region"() ({
      %run_scoped3A = tpu.sem_alloc : memref<!tpu.dma_semaphore, #tpu.memory_space<semaphore_mem>>
      %dma_start3A_74 = arith.constant 0 : i32
      %dma_start3A_75 = tpu.memref_slice %arg11[%mul3A_11, %dma_start3A_74] : memref<10112x16xf32, #tpu.memory_space<vmem_shared>> -> memref<632x16xf32, #tpu.memory_space<vmem_shared>>
      %dma_start3A_76 = arith.constant 0 : i32
      %dma_start3A_77 = tpu.memref_slice %arg5[%mul3A_9, %dma_start3A_76] : memref<10112x16xf32, #tpu.memory_space<hbm>> -> memref<632x16xf32, #tpu.memory_space<hbm>>
      tpu.enqueue_dma source(%dma_start3A_77 : memref<632x16xf32, #tpu.memory_space<hbm>>) target(%dma_start3A_75 : memref<632x16xf32, #tpu.memory_space<vmem_shared>>) target_semaphore(%run_scoped3A : memref<!tpu.dma_semaphore, #tpu.memory_space<semaphore_mem>>)
      %dma_wait3A_78 = arith.constant 0 : i32
      %dma_wait3A_79 = tpu.memref_slice %arg11[%mul3A_11, %dma_wait3A_78] : memref<10112x16xf32, #tpu.memory_space<vmem_shared>> -> memref<632x16xf32, #tpu.memory_space<vmem_shared>>
      %dma_wait3A_80 = arith.constant 0 : i32
      %dma_wait3A_81 = tpu.memref_slice %arg5[%mul3A_9, %dma_wait3A_80] : memref<10112x16xf32, #tpu.memory_space<hbm>> -> memref<632x16xf32, #tpu.memory_space<hbm>>
      tpu.wait_dma2 semaphore(%run_scoped3A : memref<!tpu.dma_semaphore, #tpu.memory_space<semaphore_mem>>) src(%dma_wait3A_81 : memref<632x16xf32, #tpu.memory_space<hbm>>) dst(%dma_wait3A_79 : memref<632x16xf32, #tpu.memory_space<vmem_shared>>)
      tpu.yield
    }) : () -> ()
    %barrier3A = arith.constant 0 : index
    tpu.barrier barrier_id(%barrier3A)
    %dma_start3A = arith.constant 0 : i32
    %dma_start3A_12 = arith.constant 0 : i32
    %dma_start3A_13 = tpu.memref_slice %arg7[%dma_start3A, %dma_start3A_12] : memref<80x128xi32, #tpu.memory_space<vmem>> -> memref<1x128xi32, #tpu.memory_space<vmem>>
    %dma_start3A_14 = tpu.memref_squeeze %dma_start3A_13 : memref<1x128xi32, #tpu.memory_space<vmem>> -> memref<128xi32, #tpu.memory_space<vmem>>
    %dma_start3A_15 = arith.constant 0 : i32
    %dma_start3A_16 = arith.constant 0 : i32
    %dma_start3A_17 = tpu.memref_slice %arg2[%dma_start3A_15, %dma_start3A_16] : memref<80000x16xf32, #tpu.memory_space<hbm>> -> memref<80000x16xf32, #tpu.memory_space<hbm>>
    tpu.enqueue_indirect_dma source(%dma_start3A_17 : memref<80000x16xf32, #tpu.memory_space<hbm>>) target(%arg9 : memref<128x16xf32, #tpu.memory_space<vmem>>) offsets(%dma_start3A_14 : memref<128xi32, #tpu.memory_space<vmem>>) semaphore(%arg12 : memref<!tpu.dma_semaphore, #tpu.memory_space<semaphore_mem>>)
    %dma_start3A_18 = arith.constant 1 : i32
    %dma_start3A_19 = arith.constant 0 : i32
    %dma_start3A_20 = tpu.memref_slice %arg7[%dma_start3A_18, %dma_start3A_19] : memref<80x128xi32, #tpu.memory_space<vmem>> -> memref<1x128xi32, #tpu.memory_space<vmem>>
    %dma_start3A_21 = tpu.memref_squeeze %dma_start3A_20 : memref<1x128xi32, #tpu.memory_space<vmem>> -> memref<128xi32, #tpu.memory_space<vmem>>
    %dma_start3A_22 = arith.constant 0 : i32
    %dma_start3A_23 = arith.constant 0 : i32
    %dma_start3A_24 = tpu.memref_slice %arg2[%dma_start3A_22, %dma_start3A_23] : memref<80000x16xf32, #tpu.memory_space<hbm>> -> memref<80000x16xf32, #tpu.memory_space<hbm>>
    tpu.enqueue_indirect_dma source(%dma_start3A_24 : memref<80000x16xf32, #tpu.memory_space<hbm>>) target(%arg10 : memref<128x16xf32, #tpu.memory_space<vmem>>) offsets(%dma_start3A_21 : memref<128xi32, #tpu.memory_space<vmem>>) semaphore(%arg13 : memref<!tpu.dma_semaphore, #tpu.memory_space<semaphore_mem>>)
    %jit3A = arith.constant 2 : i32
    %div3A = arith.divsi %add3A_1, %jit3A : i32
    %sign3A = arith.constant 0 : i32
    %sign3A_25 = arith.cmpi sgt, %add3A_1, %sign3A : i32
    %sign3A_26 = arith.extui %sign3A_25 : i1 to i32
    %sign3A_27 = arith.constant 0 : i32
    %sign3A_28 = arith.cmpi slt, %add3A_1, %sign3A_27 : i32
    %sign3A_29 = arith.extui %sign3A_28 : i1 to i32
    %sign3A_30 = arith.subi %sign3A_26, %sign3A_29 : i32
    %sign3A_31 = arith.constant 0 : i32
    %sign3A_32 = arith.cmpi sgt, %jit3A, %sign3A_31 : i32
    %sign3A_33 = arith.extui %sign3A_32 : i1 to i32
    %sign3A_34 = arith.constant 0 : i32
    %sign3A_35 = arith.cmpi slt, %jit3A, %sign3A_34 : i32
    %sign3A_36 = arith.extui %sign3A_35 : i1 to i32
    %sign3A_37 = arith.subi %sign3A_33, %sign3A_36 : i32
    %ne3A = arith.cmpi ne, %sign3A_30, %sign3A_37 : i32
    %rem3A = arith.remsi %add3A_1, %jit3A : i32
    %ne3A_38 = arith.constant 0 : i32
    %ne3A_39 = arith.cmpi ne, %rem3A, %ne3A_38 : i32
    %and3A = arith.andi %ne3A, %ne3A_39 : i1
    %sub3A = arith.constant 1 : i32
    %sub3A_40 = arith.subi %div3A, %sub3A : i32
    %select_n3A = arith.select %and3A, %sub3A_40, %div3A : i32
    %sub3A_41 = arith.constant 1 : i32
    %sub3A_42 = arith.subi %select_n3A, %sub3A_41 : i32
    %while3A = arith.constant 0 : i32
    %while3A_43 = arith.constant 0 : i32
    %while3A_44 = arith.subi %sub3A_42, %while3A_43 : i32
    %while3A_45 = arith.addi %while3A_43, %while3A_44 : i32
    %while3A_46 = arith.constant 1 : i32
    %while3A_47 = arith.divsi %while3A_44, %while3A_46 : i32
    %while3A_48 = arith.muli %while3A_47, %while3A_46 : i32
    %while3A_49 = arith.addi %while3A_43, %while3A_48 : i32
    %while3A_50 = arith.constant 1 : i32
    scf.for %while3A_74 = %while3A_43 to %while3A_49 step %while3A_50  : i32 {
      %mul3A_75 = arith.constant 2 : i32
      %mul3A_76 = arith.muli %while3A_74, %mul3A_75 : i32
      %dma_wait3A_77 = arith.constant 0 : i32
      %dma_wait3A_78 = tpu.memref_slice %arg7[%mul3A_76, %dma_wait3A_77] : memref<80x128xi32, #tpu.memory_space<vmem>> -> memref<1x128xi32, #tpu.memory_space<vmem>>
      %dma_wait3A_79 = tpu.memref_squeeze %dma_wait3A_78 : memref<1x128xi32, #tpu.memory_space<vmem>> -> memref<128xi32, #tpu.memory_space<vmem>>
      %dma_wait3A_80 = arith.constant 0 : i32
      %dma_wait3A_81 = arith.constant 0 : i32
      %dma_wait3A_82 = tpu.memref_slice %arg2[%dma_wait3A_80, %dma_wait3A_81] : memref<80000x16xf32, #tpu.memory_space<hbm>> -> memref<80000x16xf32, #tpu.memory_space<hbm>>
      tpu.wait_indirect_dma semaphore(%arg12 : memref<!tpu.dma_semaphore, #tpu.memory_space<semaphore_mem>>) src(%dma_wait3A_82 : memref<80000x16xf32, #tpu.memory_space<hbm>>) dst(%arg9 : memref<128x16xf32, #tpu.memory_space<vmem>>)
      "tpu.region"() ({
        %run_scoped3A = tpu.sem_alloc : memref<!tpu.dma_semaphore, #tpu.memory_space<semaphore_mem>>
        %dma_start3A_107 = arith.constant 0 : i32
        %dma_start3A_108 = tpu.memref_slice %arg8[%mul3A_76, %dma_start3A_107] : memref<80x128xi32, #tpu.memory_space<vmem>> -> memref<1x128xi32, #tpu.memory_space<vmem>>
        %dma_start3A_109 = tpu.memref_squeeze %dma_start3A_108 : memref<1x128xi32, #tpu.memory_space<vmem>> -> memref<128xi32, #tpu.memory_space<vmem>>
        %dma_start3A_110 = arith.constant 0 : i32
        %dma_start3A_111 = arith.constant 0 : i32
        %dma_start3A_112 = tpu.memref_slice %arg11[%dma_start3A_110, %dma_start3A_111] : memref<10112x16xf32, #tpu.memory_space<vmem_shared>> -> memref<10112x16xf32, #tpu.memory_space<vmem_shared>>
        tpu.enqueue_indirect_dma source(%arg9 : memref<128x16xf32, #tpu.memory_space<vmem>>) target(%dma_start3A_112 : memref<10112x16xf32, #tpu.memory_space<vmem_shared>>) offsets(%dma_start3A_109 : memref<128xi32, #tpu.memory_space<vmem>>) semaphore(%run_scoped3A : memref<!tpu.dma_semaphore, #tpu.memory_space<semaphore_mem>>) {add = true}
        %dma_wait3A_113 = arith.constant 0 : i32
        %dma_wait3A_114 = tpu.memref_slice %arg8[%mul3A_76, %dma_wait3A_113] : memref<80x128xi32, #tpu.memory_space<vmem>> -> memref<1x128xi32, #tpu.memory_space<vmem>>
        %dma_wait3A_115 = tpu.memref_squeeze %dma_wait3A_114 : memref<1x128xi32, #tpu.memory_space<vmem>> -> memref<128xi32, #tpu.memory_space<vmem>>
        %dma_wait3A_116 = arith.constant 0 : i32
        %dma_wait3A_117 = arith.constant 0 : i32
        %dma_wait3A_118 = tpu.memref_slice %arg11[%dma_wait3A_116, %dma_wait3A_117] : memref<10112x16xf32, #tpu.memory_space<vmem_shared>> -> memref<10112x16xf32, #tpu.memory_space<vmem_shared>>
        tpu.wait_indirect_dma semaphore(%run_scoped3A : memref<!tpu.dma_semaphore, #tpu.memory_space<semaphore_mem>>) src(%arg9 : memref<128x16xf32, #tpu.memory_space<vmem>>) dst(%dma_wait3A_118 : memref<10112x16xf32, #tpu.memory_space<vmem_shared>>)
        tpu.yield
      }) : () -> ()
      %add3A_83 = arith.constant 2 : i32
      %add3A_84 = arith.addi %mul3A_76, %add3A_83 : i32
      %dma_start3A_85 = arith.constant 0 : i32
      %dma_start3A_86 = tpu.memref_slice %arg7[%add3A_84, %dma_start3A_85] : memref<80x128xi32, #tpu.memory_space<vmem>> -> memref<1x128xi32, #tpu.memory_space<vmem>>
      %dma_start3A_87 = tpu.memref_squeeze %dma_start3A_86 : memref<1x128xi32, #tpu.memory_space<vmem>> -> memref<128xi32, #tpu.memory_space<vmem>>
      %dma_start3A_88 = arith.constant 0 : i32
      %dma_start3A_89 = arith.constant 0 : i32
      %dma_start3A_90 = tpu.memref_slice %arg2[%dma_start3A_88, %dma_start3A_89] : memref<80000x16xf32, #tpu.memory_space<hbm>> -> memref<80000x16xf32, #tpu.memory_space<hbm>>
      tpu.enqueue_indirect_dma source(%dma_start3A_90 : memref<80000x16xf32, #tpu.memory_space<hbm>>) target(%arg9 : memref<128x16xf32, #tpu.memory_space<vmem>>) offsets(%dma_start3A_87 : memref<128xi32, #tpu.memory_space<vmem>>) semaphore(%arg12 : memref<!tpu.dma_semaphore, #tpu.memory_space<semaphore_mem>>)
      %add3A_91 = arith.constant 1 : i32
      %add3A_92 = arith.addi %mul3A_76, %add3A_91 : i32
      %dma_wait3A_93 = arith.constant 0 : i32
      %dma_wait3A_94 = tpu.memref_slice %arg7[%add3A_92, %dma_wait3A_93] : memref<80x128xi32, #tpu.memory_space<vmem>> -> memref<1x128xi32, #tpu.memory_space<vmem>>
      %dma_wait3A_95 = tpu.memref_squeeze %dma_wait3A_94 : memref<1x128xi32, #tpu.memory_space<vmem>> -> memref<128xi32, #tpu.memory_space<vmem>>
      %dma_wait3A_96 = arith.constant 0 : i32
      %dma_wait3A_97 = arith.constant 0 : i32
      %dma_wait3A_98 = tpu.memref_slice %arg2[%dma_wait3A_96, %dma_wait3A_97] : memref<80000x16xf32, #tpu.memory_space<hbm>> -> memref<80000x16xf32, #tpu.memory_space<hbm>>
      tpu.wait_indirect_dma semaphore(%arg13 : memref<!tpu.dma_semaphore, #tpu.memory_space<semaphore_mem>>) src(%dma_wait3A_98 : memref<80000x16xf32, #tpu.memory_space<hbm>>) dst(%arg10 : memref<128x16xf32, #tpu.memory_space<vmem>>)
      "tpu.region"() ({
        %run_scoped3A = tpu.sem_alloc : memref<!tpu.dma_semaphore, #tpu.memory_space<semaphore_mem>>
        %dma_start3A_107 = arith.constant 0 : i32
        %dma_start3A_108 = tpu.memref_slice %arg8[%add3A_92, %dma_start3A_107] : memref<80x128xi32, #tpu.memory_space<vmem>> -> memref<1x128xi32, #tpu.memory_space<vmem>>
        %dma_start3A_109 = tpu.memref_squeeze %dma_start3A_108 : memref<1x128xi32, #tpu.memory_space<vmem>> -> memref<128xi32, #tpu.memory_space<vmem>>
        %dma_start3A_110 = arith.constant 0 : i32
        %dma_start3A_111 = arith.constant 0 : i32
        %dma_start3A_112 = tpu.memref_slice %arg11[%dma_start3A_110, %dma_start3A_111] : memref<10112x16xf32, #tpu.memory_space<vmem_shared>> -> memref<10112x16xf32, #tpu.memory_space<vmem_shared>>
        tpu.enqueue_indirect_dma source(%arg10 : memref<128x16xf32, #tpu.memory_space<vmem>>) target(%dma_start3A_112 : memref<10112x16xf32, #tpu.memory_space<vmem_shared>>) offsets(%dma_start3A_109 : memref<128xi32, #tpu.memory_space<vmem>>) semaphore(%run_scoped3A : memref<!tpu.dma_semaphore, #tpu.memory_space<semaphore_mem>>) {add = true}
        %dma_wait3A_113 = arith.constant 0 : i32
        %dma_wait3A_114 = tpu.memref_slice %arg8[%add3A_92, %dma_wait3A_113] : memref<80x128xi32, #tpu.memory_space<vmem>> -> memref<1x128xi32, #tpu.memory_space<vmem>>
        %dma_wait3A_115 = tpu.memref_squeeze %dma_wait3A_114 : memref<1x128xi32, #tpu.memory_space<vmem>> -> memref<128xi32, #tpu.memory_space<vmem>>
        %dma_wait3A_116 = arith.constant 0 : i32
        %dma_wait3A_117 = arith.constant 0 : i32
        %dma_wait3A_118 = tpu.memref_slice %arg11[%dma_wait3A_116, %dma_wait3A_117] : memref<10112x16xf32, #tpu.memory_space<vmem_shared>> -> memref<10112x16xf32, #tpu.memory_space<vmem_shared>>
        tpu.wait_indirect_dma semaphore(%run_scoped3A : memref<!tpu.dma_semaphore, #tpu.memory_space<semaphore_mem>>) src(%arg10 : memref<128x16xf32, #tpu.memory_space<vmem>>) dst(%dma_wait3A_118 : memref<10112x16xf32, #tpu.memory_space<vmem_shared>>)
        tpu.yield
      }) : () -> ()
      %add3A_99 = arith.constant 3 : i32
      %add3A_100 = arith.addi %mul3A_76, %add3A_99 : i32
      %dma_start3A_101 = arith.constant 0 : i32
      %dma_start3A_102 = tpu.memref_slice %arg7[%add3A_100, %dma_start3A_101] : memref<80x128xi32, #tpu.memory_space<vmem>> -> memref<1x128xi32, #tpu.memory_space<vmem>>
      %dma_start3A_103 = tpu.memref_squeeze %dma_start3A_102 : memref<1x128xi32, #tpu.memory_space<vmem>> -> memref<128xi32, #tpu.memory_space<vmem>>
      %dma_start3A_104 = arith.constant 0 : i32
      %dma_start3A_105 = arith.constant 0 : i32
      %dma_start3A_106 = tpu.memref_slice %arg2[%dma_start3A_104, %dma_start3A_105] : memref<80000x16xf32, #tpu.memory_space<hbm>> -> memref<80000x16xf32, #tpu.memory_space<hbm>>
      tpu.enqueue_indirect_dma source(%dma_start3A_106 : memref<80000x16xf32, #tpu.memory_space<hbm>>) target(%arg10 : memref<128x16xf32, #tpu.memory_space<vmem>>) offsets(%dma_start3A_103 : memref<128xi32, #tpu.memory_space<vmem>>) semaphore(%arg13 : memref<!tpu.dma_semaphore, #tpu.memory_space<semaphore_mem>>)
    }
    %while3A_51 = arith.constant 1 : i32
    scf.for %while3A_74 = %while3A_49 to %while3A_45 step %while3A_51  : i32 {
      %mul3A_75 = arith.constant 2 : i32
      %mul3A_76 = arith.muli %while3A_74, %mul3A_75 : i32
      %dma_wait3A_77 = arith.constant 0 : i32
      %dma_wait3A_78 = tpu.memref_slice %arg7[%mul3A_76, %dma_wait3A_77] : memref<80x128xi32, #tpu.memory_space<vmem>> -> memref<1x128xi32, #tpu.memory_space<vmem>>
      %dma_wait3A_79 = tpu.memref_squeeze %dma_wait3A_78 : memref<1x128xi32, #tpu.memory_space<vmem>> -> memref<128xi32, #tpu.memory_space<vmem>>
      %dma_wait3A_80 = arith.constant 0 : i32
      %dma_wait3A_81 = arith.constant 0 : i32
      %dma_wait3A_82 = tpu.memref_slice %arg2[%dma_wait3A_80, %dma_wait3A_81] : memref<80000x16xf32, #tpu.memory_space<hbm>> -> memref<80000x16xf32, #tpu.memory_space<hbm>>
      tpu.wait_indirect_dma semaphore(%arg12 : memref<!tpu.dma_semaphore, #tpu.memory_space<semaphore_mem>>) src(%dma_wait3A_82 : memref<80000x16xf32, #tpu.memory_space<hbm>>) dst(%arg9 : memref<128x16xf32, #tpu.memory_space<vmem>>)
      "tpu.region"() ({
        %run_scoped3A = tpu.sem_alloc : memref<!tpu.dma_semaphore, #tpu.memory_space<semaphore_mem>>
        %dma_start3A_107 = arith.constant 0 : i32
        %dma_start3A_108 = tpu.memref_slice %arg8[%mul3A_76, %dma_start3A_107] : memref<80x128xi32, #tpu.memory_space<vmem>> -> memref<1x128xi32, #tpu.memory_space<vmem>>
        %dma_start3A_109 = tpu.memref_squeeze %dma_start3A_108 : memref<1x128xi32, #tpu.memory_space<vmem>> -> memref<128xi32, #tpu.memory_space<vmem>>
        %dma_start3A_110 = arith.constant 0 : i32
        %dma_start3A_111 = arith.constant 0 : i32
        %dma_start3A_112 = tpu.memref_slice %arg11[%dma_start3A_110, %dma_start3A_111] : memref<10112x16xf32, #tpu.memory_space<vmem_shared>> -> memref<10112x16xf32, #tpu.memory_space<vmem_shared>>
        tpu.enqueue_indirect_dma source(%arg9 : memref<128x16xf32, #tpu.memory_space<vmem>>) target(%dma_start3A_112 : memref<10112x16xf32, #tpu.memory_space<vmem_shared>>) offsets(%dma_start3A_109 : memref<128xi32, #tpu.memory_space<vmem>>) semaphore(%run_scoped3A : memref<!tpu.dma_semaphore, #tpu.memory_space<semaphore_mem>>) {add = true}
        %dma_wait3A_113 = arith.constant 0 : i32
        %dma_wait3A_114 = tpu.memref_slice %arg8[%mul3A_76, %dma_wait3A_113] : memref<80x128xi32, #tpu.memory_space<vmem>> -> memref<1x128xi32, #tpu.memory_space<vmem>>
        %dma_wait3A_115 = tpu.memref_squeeze %dma_wait3A_114 : memref<1x128xi32, #tpu.memory_space<vmem>> -> memref<128xi32, #tpu.memory_space<vmem>>
        %dma_wait3A_116 = arith.constant 0 : i32
        %dma_wait3A_117 = arith.constant 0 : i32
        %dma_wait3A_118 = tpu.memref_slice %arg11[%dma_wait3A_116, %dma_wait3A_117] : memref<10112x16xf32, #tpu.memory_space<vmem_shared>> -> memref<10112x16xf32, #tpu.memory_space<vmem_shared>>
        tpu.wait_indirect_dma semaphore(%run_scoped3A : memref<!tpu.dma_semaphore, #tpu.memory_space<semaphore_mem>>) src(%arg9 : memref<128x16xf32, #tpu.memory_space<vmem>>) dst(%dma_wait3A_118 : memref<10112x16xf32, #tpu.memory_space<vmem_shared>>)
        tpu.yield
      }) : () -> ()
      %add3A_83 = arith.constant 2 : i32
      %add3A_84 = arith.addi %mul3A_76, %add3A_83 : i32
      %dma_start3A_85 = arith.constant 0 : i32
      %dma_start3A_86 = tpu.memref_slice %arg7[%add3A_84, %dma_start3A_85] : memref<80x128xi32, #tpu.memory_space<vmem>> -> memref<1x128xi32, #tpu.memory_space<vmem>>
      %dma_start3A_87 = tpu.memref_squeeze %dma_start3A_86 : memref<1x128xi32, #tpu.memory_space<vmem>> -> memref<128xi32, #tpu.memory_space<vmem>>
      %dma_start3A_88 = arith.constant 0 : i32
      %dma_start3A_89 = arith.constant 0 : i32
      %dma_start3A_90 = tpu.memref_slice %arg2[%dma_start3A_88, %dma_start3A_89] : memref<80000x16xf32, #tpu.memory_space<hbm>> -> memref<80000x16xf32, #tpu.memory_space<hbm>>
      tpu.enqueue_indirect_dma source(%dma_start3A_90 : memref<80000x16xf32, #tpu.memory_space<hbm>>) target(%arg9 : memref<128x16xf32, #tpu.memory_space<vmem>>) offsets(%dma_start3A_87 : memref<128xi32, #tpu.memory_space<vmem>>) semaphore(%arg12 : memref<!tpu.dma_semaphore, #tpu.memory_space<semaphore_mem>>)
      %add3A_91 = arith.constant 1 : i32
      %add3A_92 = arith.addi %mul3A_76, %add3A_91 : i32
      %dma_wait3A_93 = arith.constant 0 : i32
      %dma_wait3A_94 = tpu.memref_slice %arg7[%add3A_92, %dma_wait3A_93] : memref<80x128xi32, #tpu.memory_space<vmem>> -> memref<1x128xi32, #tpu.memory_space<vmem>>
      %dma_wait3A_95 = tpu.memref_squeeze %dma_wait3A_94 : memref<1x128xi32, #tpu.memory_space<vmem>> -> memref<128xi32, #tpu.memory_space<vmem>>
      %dma_wait3A_96 = arith.constant 0 : i32
      %dma_wait3A_97 = arith.constant 0 : i32
      %dma_wait3A_98 = tpu.memref_slice %arg2[%dma_wait3A_96, %dma_wait3A_97] : memref<80000x16xf32, #tpu.memory_space<hbm>> -> memref<80000x16xf32, #tpu.memory_space<hbm>>
      tpu.wait_indirect_dma semaphore(%arg13 : memref<!tpu.dma_semaphore, #tpu.memory_space<semaphore_mem>>) src(%dma_wait3A_98 : memref<80000x16xf32, #tpu.memory_space<hbm>>) dst(%arg10 : memref<128x16xf32, #tpu.memory_space<vmem>>)
      "tpu.region"() ({
        %run_scoped3A = tpu.sem_alloc : memref<!tpu.dma_semaphore, #tpu.memory_space<semaphore_mem>>
        %dma_start3A_107 = arith.constant 0 : i32
        %dma_start3A_108 = tpu.memref_slice %arg8[%add3A_92, %dma_start3A_107] : memref<80x128xi32, #tpu.memory_space<vmem>> -> memref<1x128xi32, #tpu.memory_space<vmem>>
        %dma_start3A_109 = tpu.memref_squeeze %dma_start3A_108 : memref<1x128xi32, #tpu.memory_space<vmem>> -> memref<128xi32, #tpu.memory_space<vmem>>
        %dma_start3A_110 = arith.constant 0 : i32
        %dma_start3A_111 = arith.constant 0 : i32
        %dma_start3A_112 = tpu.memref_slice %arg11[%dma_start3A_110, %dma_start3A_111] : memref<10112x16xf32, #tpu.memory_space<vmem_shared>> -> memref<10112x16xf32, #tpu.memory_space<vmem_shared>>
        tpu.enqueue_indirect_dma source(%arg10 : memref<128x16xf32, #tpu.memory_space<vmem>>) target(%dma_start3A_112 : memref<10112x16xf32, #tpu.memory_space<vmem_shared>>) offsets(%dma_start3A_109 : memref<128xi32, #tpu.memory_space<vmem>>) semaphore(%run_scoped3A : memref<!tpu.dma_semaphore, #tpu.memory_space<semaphore_mem>>) {add = true}
        %dma_wait3A_113 = arith.constant 0 : i32
        %dma_wait3A_114 = tpu.memref_slice %arg8[%add3A_92, %dma_wait3A_113] : memref<80x128xi32, #tpu.memory_space<vmem>> -> memref<1x128xi32, #tpu.memory_space<vmem>>
        %dma_wait3A_115 = tpu.memref_squeeze %dma_wait3A_114 : memref<1x128xi32, #tpu.memory_space<vmem>> -> memref<128xi32, #tpu.memory_space<vmem>>
        %dma_wait3A_116 = arith.constant 0 : i32
        %dma_wait3A_117 = arith.constant 0 : i32
        %dma_wait3A_118 = tpu.memref_slice %arg11[%dma_wait3A_116, %dma_wait3A_117] : memref<10112x16xf32, #tpu.memory_space<vmem_shared>> -> memref<10112x16xf32, #tpu.memory_space<vmem_shared>>
        tpu.wait_indirect_dma semaphore(%run_scoped3A : memref<!tpu.dma_semaphore, #tpu.memory_space<semaphore_mem>>) src(%arg10 : memref<128x16xf32, #tpu.memory_space<vmem>>) dst(%dma_wait3A_118 : memref<10112x16xf32, #tpu.memory_space<vmem_shared>>)
        tpu.yield
      }) : () -> ()
      %add3A_99 = arith.constant 3 : i32
      %add3A_100 = arith.addi %mul3A_76, %add3A_99 : i32
      %dma_start3A_101 = arith.constant 0 : i32
      %dma_start3A_102 = tpu.memref_slice %arg7[%add3A_100, %dma_start3A_101] : memref<80x128xi32, #tpu.memory_space<vmem>> -> memref<1x128xi32, #tpu.memory_space<vmem>>
      %dma_start3A_103 = tpu.memref_squeeze %dma_start3A_102 : memref<1x128xi32, #tpu.memory_space<vmem>> -> memref<128xi32, #tpu.memory_space<vmem>>
      %dma_start3A_104 = arith.constant 0 : i32
      %dma_start3A_105 = arith.constant 0 : i32
      %dma_start3A_106 = tpu.memref_slice %arg2[%dma_start3A_104, %dma_start3A_105] : memref<80000x16xf32, #tpu.memory_space<hbm>> -> memref<80000x16xf32, #tpu.memory_space<hbm>>
      tpu.enqueue_indirect_dma source(%dma_start3A_106 : memref<80000x16xf32, #tpu.memory_space<hbm>>) target(%arg10 : memref<128x16xf32, #tpu.memory_space<vmem>>) offsets(%dma_start3A_103 : memref<128xi32, #tpu.memory_space<vmem>>) semaphore(%arg13 : memref<!tpu.dma_semaphore, #tpu.memory_space<semaphore_mem>>)
    }
    %sub3A_52 = arith.constant 2 : i32
    %sub3A_53 = arith.subi %add3A_1, %sub3A_52 : i32
    %dma_wait3A = arith.constant 0 : i32
    %dma_wait3A_54 = tpu.memref_slice %arg7[%sub3A_53, %dma_wait3A] : memref<80x128xi32, #tpu.memory_space<vmem>> -> memref<1x128xi32, #tpu.memory_space<vmem>>
    %dma_wait3A_55 = tpu.memref_squeeze %dma_wait3A_54 : memref<1x128xi32, #tpu.memory_space<vmem>> -> memref<128xi32, #tpu.memory_space<vmem>>
    %dma_wait3A_56 = arith.constant 0 : i32
    %dma_wait3A_57 = arith.constant 0 : i32
    %dma_wait3A_58 = tpu.memref_slice %arg2[%dma_wait3A_56, %dma_wait3A_57] : memref<80000x16xf32, #tpu.memory_space<hbm>> -> memref<80000x16xf32, #tpu.memory_space<hbm>>
    tpu.wait_indirect_dma semaphore(%arg12 : memref<!tpu.dma_semaphore, #tpu.memory_space<semaphore_mem>>) src(%dma_wait3A_58 : memref<80000x16xf32, #tpu.memory_space<hbm>>) dst(%arg9 : memref<128x16xf32, #tpu.memory_space<vmem>>)
    "tpu.region"() ({
      %run_scoped3A = tpu.sem_alloc : memref<!tpu.dma_semaphore, #tpu.memory_space<semaphore_mem>>
      %dma_start3A_74 = arith.constant 0 : i32
      %dma_start3A_75 = tpu.memref_slice %arg8[%sub3A_53, %dma_start3A_74] : memref<80x128xi32, #tpu.memory_space<vmem>> -> memref<1x128xi32, #tpu.memory_space<vmem>>
      %dma_start3A_76 = tpu.memref_squeeze %dma_start3A_75 : memref<1x128xi32, #tpu.memory_space<vmem>> -> memref<128xi32, #tpu.memory_space<vmem>>
      %dma_start3A_77 = arith.constant 0 : i32
      %dma_start3A_78 = arith.constant 0 : i32
      %dma_start3A_79 = tpu.memref_slice %arg11[%dma_start3A_77, %dma_start3A_78] : memref<10112x16xf32, #tpu.memory_space<vmem_shared>> -> memref<10112x16xf32, #tpu.memory_space<vmem_shared>>
      tpu.enqueue_indirect_dma source(%arg9 : memref<128x16xf32, #tpu.memory_space<vmem>>) target(%dma_start3A_79 : memref<10112x16xf32, #tpu.memory_space<vmem_shared>>) offsets(%dma_start3A_76 : memref<128xi32, #tpu.memory_space<vmem>>) semaphore(%run_scoped3A : memref<!tpu.dma_semaphore, #tpu.memory_space<semaphore_mem>>) {add = true}
      %dma_wait3A_80 = arith.constant 0 : i32
      %dma_wait3A_81 = tpu.memref_slice %arg8[%sub3A_53, %dma_wait3A_80] : memref<80x128xi32, #tpu.memory_space<vmem>> -> memref<1x128xi32, #tpu.memory_space<vmem>>
      %dma_wait3A_82 = tpu.memref_squeeze %dma_wait3A_81 : memref<1x128xi32, #tpu.memory_space<vmem>> -> memref<128xi32, #tpu.memory_space<vmem>>
      %dma_wait3A_83 = arith.constant 0 : i32
      %dma_wait3A_84 = arith.constant 0 : i32
      %dma_wait3A_85 = tpu.memref_slice %arg11[%dma_wait3A_83, %dma_wait3A_84] : memref<10112x16xf32, #tpu.memory_space<vmem_shared>> -> memref<10112x16xf32, #tpu.memory_space<vmem_shared>>
      tpu.wait_indirect_dma semaphore(%run_scoped3A : memref<!tpu.dma_semaphore, #tpu.memory_space<semaphore_mem>>) src(%arg9 : memref<128x16xf32, #tpu.memory_space<vmem>>) dst(%dma_wait3A_85 : memref<10112x16xf32, #tpu.memory_space<vmem_shared>>)
      tpu.yield
    }) : () -> ()
    %sub3A_59 = arith.constant 1 : i32
    %sub3A_60 = arith.subi %add3A_1, %sub3A_59 : i32
    %dma_wait3A_61 = arith.constant 0 : i32
    %dma_wait3A_62 = tpu.memref_slice %arg7[%sub3A_60, %dma_wait3A_61] : memref<80x128xi32, #tpu.memory_space<vmem>> -> memref<1x128xi32, #tpu.memory_space<vmem>>
    %dma_wait3A_63 = tpu.memref_squeeze %dma_wait3A_62 : memref<1x128xi32, #tpu.memory_space<vmem>> -> memref<128xi32, #tpu.memory_space<vmem>>
    %dma_wait3A_64 = arith.constant 0 : i32
    %dma_wait3A_65 = arith.constant 0 : i32
    %dma_wait3A_66 = tpu.memref_slice %arg2[%dma_wait3A_64, %dma_wait3A_65] : memref<80000x16xf32, #tpu.memory_space<hbm>> -> memref<80000x16xf32, #tpu.memory_space<hbm>>
    tpu.wait_indirect_dma semaphore(%arg13 : memref<!tpu.dma_semaphore, #tpu.memory_space<semaphore_mem>>) src(%dma_wait3A_66 : memref<80000x16xf32, #tpu.memory_space<hbm>>) dst(%arg10 : memref<128x16xf32, #tpu.memory_space<vmem>>)
    "tpu.region"() ({
      %run_scoped3A = tpu.sem_alloc : memref<!tpu.dma_semaphore, #tpu.memory_space<semaphore_mem>>
      %dma_start3A_74 = arith.constant 0 : i32
      %dma_start3A_75 = tpu.memref_slice %arg8[%sub3A_60, %dma_start3A_74] : memref<80x128xi32, #tpu.memory_space<vmem>> -> memref<1x128xi32, #tpu.memory_space<vmem>>
      %dma_start3A_76 = tpu.memref_squeeze %dma_start3A_75 : memref<1x128xi32, #tpu.memory_space<vmem>> -> memref<128xi32, #tpu.memory_space<vmem>>
      %dma_start3A_77 = arith.constant 0 : i32
      %dma_start3A_78 = arith.constant 0 : i32
      %dma_start3A_79 = tpu.memref_slice %arg11[%dma_start3A_77, %dma_start3A_78] : memref<10112x16xf32, #tpu.memory_space<vmem_shared>> -> memref<10112x16xf32, #tpu.memory_space<vmem_shared>>
      tpu.enqueue_indirect_dma source(%arg10 : memref<128x16xf32, #tpu.memory_space<vmem>>) target(%dma_start3A_79 : memref<10112x16xf32, #tpu.memory_space<vmem_shared>>) offsets(%dma_start3A_76 : memref<128xi32, #tpu.memory_space<vmem>>) semaphore(%run_scoped3A : memref<!tpu.dma_semaphore, #tpu.memory_space<semaphore_mem>>) {add = true}
      %dma_wait3A_80 = arith.constant 0 : i32
      %dma_wait3A_81 = tpu.memref_slice %arg8[%sub3A_60, %dma_wait3A_80] : memref<80x128xi32, #tpu.memory_space<vmem>> -> memref<1x128xi32, #tpu.memory_space<vmem>>
      %dma_wait3A_82 = tpu.memref_squeeze %dma_wait3A_81 : memref<1x128xi32, #tpu.memory_space<vmem>> -> memref<128xi32, #tpu.memory_space<vmem>>
      %dma_wait3A_83 = arith.constant 0 : i32
      %dma_wait3A_84 = arith.constant 0 : i32
      %dma_wait3A_85 = tpu.memref_slice %arg11[%dma_wait3A_83, %dma_wait3A_84] : memref<10112x16xf32, #tpu.memory_space<vmem_shared>> -> memref<10112x16xf32, #tpu.memory_space<vmem_shared>>
      tpu.wait_indirect_dma semaphore(%run_scoped3A : memref<!tpu.dma_semaphore, #tpu.memory_space<semaphore_mem>>) src(%arg10 : memref<128x16xf32, #tpu.memory_space<vmem>>) dst(%dma_wait3A_85 : memref<10112x16xf32, #tpu.memory_space<vmem_shared>>)
      tpu.yield
    }) : () -> ()
    %barrier3A_67 = arith.constant 0 : index
    tpu.barrier barrier_id(%barrier3A_67)
    %mul3A_68 = arith.constant 632 : i32
    %mul3A_69 = arith.muli %arg1, %mul3A_68 : i32
    %mul3A_70 = arith.constant 632 : i32
    %mul3A_71 = arith.muli %arg1, %mul3A_70 : i32
    %mul3A_72 = arith.constant 16 : i32
    %mul3A_73 = arith.muli %arg0, %mul3A_72 : i32
    "tpu.region"() ({
      %run_scoped3A = tpu.sem_alloc : memref<!tpu.dma_semaphore, #tpu.memory_space<semaphore_mem>>
      %dma_start3A_74 = tpu.memref_slice %arg6[%mul3A_71, %mul3A_73] : memref<10112x128xf32, #tpu.memory_space<hbm>> -> memref<632x16xf32, #tpu.memory_space<hbm>>
      %dma_start3A_75 = arith.constant 0 : i32
      %dma_start3A_76 = tpu.memref_slice %arg11[%mul3A_69, %dma_start3A_75] : memref<10112x16xf32, #tpu.memory_space<vmem_shared>> -> memref<632x16xf32, #tpu.memory_space<vmem_shared>>
      tpu.enqueue_dma source(%dma_start3A_76 : memref<632x16xf32, #tpu.memory_space<vmem_shared>>) target(%dma_start3A_74 : memref<632x16xf32, #tpu.memory_space<hbm>>) target_semaphore(%run_scoped3A : memref<!tpu.dma_semaphore, #tpu.memory_space<semaphore_mem>>)
      %dma_wait3A_77 = tpu.memref_slice %arg6[%mul3A_71, %mul3A_73] : memref<10112x128xf32, #tpu.memory_space<hbm>> -> memref<632x16xf32, #tpu.memory_space<hbm>>
      %dma_wait3A_78 = arith.constant 0 : i32
      %dma_wait3A_79 = tpu.memref_slice %arg11[%mul3A_69, %dma_wait3A_78] : memref<10112x16xf32, #tpu.memory_space<vmem_shared>> -> memref<632x16xf32, #tpu.memory_space<vmem_shared>>
      tpu.wait_dma2 semaphore(%run_scoped3A : memref<!tpu.dma_semaphore, #tpu.memory_space<semaphore_mem>>) src(%dma_wait3A_79 : memref<632x16xf32, #tpu.memory_space<vmem_shared>>) dst(%dma_wait3A_77 : memref<632x16xf32, #tpu.memory_space<hbm>>)
      tpu.yield
    }) : () -> ()
    return
  }
}

#map = affine_map<(d0, d1) -> (0, 0)>
module attributes {stable_mosaic.version = 14 : i64} {
  func.func @k(%arg0: i32, %arg1: i32, %arg2: memref<80000x16xf32, #tpu.memory_space<hbm>>, %arg3: memref<2560x128xi32, #tpu.memory_space<hbm>>, %arg4: memref<2560x128xi32, #tpu.memory_space<hbm>>, %arg5: memref<20096x16xf32, #tpu.memory_space<hbm>>, %arg6: memref<20096x128xf32, #tpu.memory_space<hbm>>, %arg7: memref<80x128xi32, #tpu.memory_space<vmem>>, %arg8: memref<80x128xi32, #tpu.memory_space<vmem>>, %arg9: memref<128x16xf32, #tpu.memory_space<vmem>>, %arg10: memref<128x16xf32, #tpu.memory_space<vmem>>, %arg11: memref<20096x16xf32, #tpu.memory_space<vmem_shared>>, %arg12: memref<!tpu.dma_semaphore, #tpu.memory_space<semaphore_mem>>, %arg13: memref<!tpu.dma_semaphore, #tpu.memory_space<semaphore_mem>>) attributes {dimension_semantics = [#tpu.dimension_semantics<core_parallel>, #tpu.dimension_semantics<subcore_parallel>], iteration_bounds = array<i64: 2, 16>, scalar_prefetch = 0 : i64, scratch_operands = 7 : i64, tpu.core_type = #tpu.core_type<sc_vector_subcore>, window_params = [{transform_indices = #map}, {transform_indices = #map}, {transform_indices = #map}, {transform_indices = #map}, {transform_indices = #map}]} {
    %mul3A = arith.constant 0 : i32
    %mul3A_0 = arith.muli %arg0, %mul3A : i32
    %add3A = arith.constant 80 : i32
    %add3A_1 = arith.addi %add3A, %mul3A_0 : i32
    %mul3A_2 = arith.constant 16 : i32
    %mul3A_3 = arith.muli %arg0, %mul3A_2 : i32
    %mul3A_4 = arith.constant 80 : i32
    %mul3A_5 = arith.muli %mul3A_3, %mul3A_4 : i32
    %mul3A_6 = arith.muli %arg1, %add3A_1 : i32
    %add3A_7 = arith.addi %mul3A_5, %mul3A_6 : i32
    "tpu.region"() ({
      %run_scoped3A = tpu.sem_alloc : memref<!tpu.dma_semaphore, #tpu.memory_space<semaphore_mem>>
      %dma_start3A_74 = arith.constant 0 : i32
      %dma_start3A_75 = tpu.memref_slice %arg3[%add3A_7, %dma_start3A_74] : memref<2560x128xi32, #tpu.memory_space<hbm>> -> memref<80x128xi32, #tpu.memory_space<hbm>>
      %dma_start3A_76 = arith.constant 0 : i32
      %dma_start3A_77 = tpu.memref_slice %arg3[%add3A_7, %dma_start3A_76] : memref<2560x128xi32, #tpu.memory_space<hbm>> -> memref<80x128xi32, #tpu.memory_space<hbm>>
      tpu.enqueue_dma source(%dma_start3A_77 : memref<80x128xi32, #tpu.memory_space<hbm>>) target(%arg7 : memref<80x128xi32, #tpu.memory_space<vmem>>) target_semaphore(%run_scoped3A : memref<!tpu.dma_semaphore, #tpu.memory_space<semaphore_mem>>)
      %dma_wait3A_78 = arith.constant 0 : i32
      %dma_wait3A_79 = tpu.memref_slice %arg3[%add3A_7, %dma_wait3A_78] : memref<2560x128xi32, #tpu.memory_space<hbm>> -> memref<80x128xi32, #tpu.memory_space<hbm>>
      %dma_wait3A_80 = arith.constant 0 : i32
      %dma_wait3A_81 = tpu.memref_slice %arg3[%add3A_7, %dma_wait3A_80] : memref<2560x128xi32, #tpu.memory_space<hbm>> -> memref<80x128xi32, #tpu.memory_space<hbm>>
      tpu.wait_dma2 semaphore(%run_scoped3A : memref<!tpu.dma_semaphore, #tpu.memory_space<semaphore_mem>>) src(%dma_wait3A_81 : memref<80x128xi32, #tpu.memory_space<hbm>>) dst(%arg7 : memref<80x128xi32, #tpu.memory_space<vmem>>)
      tpu.yield
    }) : () -> ()
    "tpu.region"() ({
      %run_scoped3A = tpu.sem_alloc : memref<!tpu.dma_semaphore, #tpu.memory_space<semaphore_mem>>
      %dma_start3A_74 = arith.constant 0 : i32
      %dma_start3A_75 = tpu.memref_slice %arg4[%add3A_7, %dma_start3A_74] : memref<2560x128xi32, #tpu.memory_space<hbm>> -> memref<80x128xi32, #tpu.memory_space<hbm>>
      %dma_start3A_76 = arith.constant 0 : i32
      %dma_start3A_77 = tpu.memref_slice %arg4[%add3A_7, %dma_start3A_76] : memref<2560x128xi32, #tpu.memory_space<hbm>> -> memref<80x128xi32, #tpu.memory_space<hbm>>
      tpu.enqueue_dma source(%dma_start3A_77 : memref<80x128xi32, #tpu.memory_space<hbm>>) target(%arg8 : memref<80x128xi32, #tpu.memory_space<vmem>>) target_semaphore(%run_scoped3A : memref<!tpu.dma_semaphore, #tpu.memory_space<semaphore_mem>>)
      %dma_wait3A_78 = arith.constant 0 : i32
      %dma_wait3A_79 = tpu.memref_slice %arg4[%add3A_7, %dma_wait3A_78] : memref<2560x128xi32, #tpu.memory_space<hbm>> -> memref<80x128xi32, #tpu.memory_space<hbm>>
      %dma_wait3A_80 = arith.constant 0 : i32
      %dma_wait3A_81 = tpu.memref_slice %arg4[%add3A_7, %dma_wait3A_80] : memref<2560x128xi32, #tpu.memory_space<hbm>> -> memref<80x128xi32, #tpu.memory_space<hbm>>
      tpu.wait_dma2 semaphore(%run_scoped3A : memref<!tpu.dma_semaphore, #tpu.memory_space<semaphore_mem>>) src(%dma_wait3A_81 : memref<80x128xi32, #tpu.memory_space<hbm>>) dst(%arg8 : memref<80x128xi32, #tpu.memory_space<vmem>>)
      tpu.yield
    }) : () -> ()
    %mul3A_8 = arith.constant 1256 : i32
    %mul3A_9 = arith.muli %arg1, %mul3A_8 : i32
    %mul3A_10 = arith.constant 1256 : i32
    %mul3A_11 = arith.muli %arg1, %mul3A_10 : i32
    "tpu.region"() ({
      %run_scoped3A = tpu.sem_alloc : memref<!tpu.dma_semaphore, #tpu.memory_space<semaphore_mem>>
      %dma_start3A_74 = arith.constant 0 : i32
      %dma_start3A_75 = tpu.memref_slice %arg11[%mul3A_11, %dma_start3A_74] : memref<20096x16xf32, #tpu.memory_space<vmem_shared>> -> memref<1256x16xf32, #tpu.memory_space<vmem_shared>>
      %dma_start3A_76 = arith.constant 0 : i32
      %dma_start3A_77 = tpu.memref_slice %arg5[%mul3A_9, %dma_start3A_76] : memref<20096x16xf32, #tpu.memory_space<hbm>> -> memref<1256x16xf32, #tpu.memory_space<hbm>>
      tpu.enqueue_dma source(%dma_start3A_77 : memref<1256x16xf32, #tpu.memory_space<hbm>>) target(%dma_start3A_75 : memref<1256x16xf32, #tpu.memory_space<vmem_shared>>) target_semaphore(%run_scoped3A : memref<!tpu.dma_semaphore, #tpu.memory_space<semaphore_mem>>)
      %dma_wait3A_78 = arith.constant 0 : i32
      %dma_wait3A_79 = tpu.memref_slice %arg11[%mul3A_11, %dma_wait3A_78] : memref<20096x16xf32, #tpu.memory_space<vmem_shared>> -> memref<1256x16xf32, #tpu.memory_space<vmem_shared>>
      %dma_wait3A_80 = arith.constant 0 : i32
      %dma_wait3A_81 = tpu.memref_slice %arg5[%mul3A_9, %dma_wait3A_80] : memref<20096x16xf32, #tpu.memory_space<hbm>> -> memref<1256x16xf32, #tpu.memory_space<hbm>>
      tpu.wait_dma2 semaphore(%run_scoped3A : memref<!tpu.dma_semaphore, #tpu.memory_space<semaphore_mem>>) src(%dma_wait3A_81 : memref<1256x16xf32, #tpu.memory_space<hbm>>) dst(%dma_wait3A_79 : memref<1256x16xf32, #tpu.memory_space<vmem_shared>>)
      tpu.yield
    }) : () -> ()
    %barrier3A = arith.constant 0 : index
    tpu.barrier barrier_id(%barrier3A)
    %dma_start3A = arith.constant 0 : i32
    %dma_start3A_12 = arith.constant 0 : i32
    %dma_start3A_13 = tpu.memref_slice %arg7[%dma_start3A, %dma_start3A_12] : memref<80x128xi32, #tpu.memory_space<vmem>> -> memref<1x128xi32, #tpu.memory_space<vmem>>
    %dma_start3A_14 = tpu.memref_squeeze %dma_start3A_13 : memref<1x128xi32, #tpu.memory_space<vmem>> -> memref<128xi32, #tpu.memory_space<vmem>>
    %dma_start3A_15 = arith.constant 0 : i32
    %dma_start3A_16 = arith.constant 0 : i32
    %dma_start3A_17 = tpu.memref_slice %arg2[%dma_start3A_15, %dma_start3A_16] : memref<80000x16xf32, #tpu.memory_space<hbm>> -> memref<80000x16xf32, #tpu.memory_space<hbm>>
    tpu.enqueue_indirect_dma source(%dma_start3A_17 : memref<80000x16xf32, #tpu.memory_space<hbm>>) target(%arg9 : memref<128x16xf32, #tpu.memory_space<vmem>>) offsets(%dma_start3A_14 : memref<128xi32, #tpu.memory_space<vmem>>) semaphore(%arg12 : memref<!tpu.dma_semaphore, #tpu.memory_space<semaphore_mem>>)
    %dma_start3A_18 = arith.constant 1 : i32
    %dma_start3A_19 = arith.constant 0 : i32
    %dma_start3A_20 = tpu.memref_slice %arg7[%dma_start3A_18, %dma_start3A_19] : memref<80x128xi32, #tpu.memory_space<vmem>> -> memref<1x128xi32, #tpu.memory_space<vmem>>
    %dma_start3A_21 = tpu.memref_squeeze %dma_start3A_20 : memref<1x128xi32, #tpu.memory_space<vmem>> -> memref<128xi32, #tpu.memory_space<vmem>>
    %dma_start3A_22 = arith.constant 0 : i32
    %dma_start3A_23 = arith.constant 0 : i32
    %dma_start3A_24 = tpu.memref_slice %arg2[%dma_start3A_22, %dma_start3A_23] : memref<80000x16xf32, #tpu.memory_space<hbm>> -> memref<80000x16xf32, #tpu.memory_space<hbm>>
    tpu.enqueue_indirect_dma source(%dma_start3A_24 : memref<80000x16xf32, #tpu.memory_space<hbm>>) target(%arg10 : memref<128x16xf32, #tpu.memory_space<vmem>>) offsets(%dma_start3A_21 : memref<128xi32, #tpu.memory_space<vmem>>) semaphore(%arg13 : memref<!tpu.dma_semaphore, #tpu.memory_space<semaphore_mem>>)
    %jit3A = arith.constant 2 : i32
    %div3A = arith.divsi %add3A_1, %jit3A : i32
    %sign3A = arith.constant 0 : i32
    %sign3A_25 = arith.cmpi sgt, %add3A_1, %sign3A : i32
    %sign3A_26 = arith.extui %sign3A_25 : i1 to i32
    %sign3A_27 = arith.constant 0 : i32
    %sign3A_28 = arith.cmpi slt, %add3A_1, %sign3A_27 : i32
    %sign3A_29 = arith.extui %sign3A_28 : i1 to i32
    %sign3A_30 = arith.subi %sign3A_26, %sign3A_29 : i32
    %sign3A_31 = arith.constant 0 : i32
    %sign3A_32 = arith.cmpi sgt, %jit3A, %sign3A_31 : i32
    %sign3A_33 = arith.extui %sign3A_32 : i1 to i32
    %sign3A_34 = arith.constant 0 : i32
    %sign3A_35 = arith.cmpi slt, %jit3A, %sign3A_34 : i32
    %sign3A_36 = arith.extui %sign3A_35 : i1 to i32
    %sign3A_37 = arith.subi %sign3A_33, %sign3A_36 : i32
    %ne3A = arith.cmpi ne, %sign3A_30, %sign3A_37 : i32
    %rem3A = arith.remsi %add3A_1, %jit3A : i32
    %ne3A_38 = arith.constant 0 : i32
    %ne3A_39 = arith.cmpi ne, %rem3A, %ne3A_38 : i32
    %and3A = arith.andi %ne3A, %ne3A_39 : i1
    %sub3A = arith.constant 1 : i32
    %sub3A_40 = arith.subi %div3A, %sub3A : i32
    %select_n3A = arith.select %and3A, %sub3A_40, %div3A : i32
    %sub3A_41 = arith.constant 1 : i32
    %sub3A_42 = arith.subi %select_n3A, %sub3A_41 : i32
    %while3A = arith.constant 0 : i32
    %while3A_43 = arith.constant 0 : i32
    %while3A_44 = arith.subi %sub3A_42, %while3A_43 : i32
    %while3A_45 = arith.addi %while3A_43, %while3A_44 : i32
    %while3A_46 = arith.constant 1 : i32
    %while3A_47 = arith.divsi %while3A_44, %while3A_46 : i32
    %while3A_48 = arith.muli %while3A_47, %while3A_46 : i32
    %while3A_49 = arith.addi %while3A_43, %while3A_48 : i32
    %while3A_50 = arith.constant 1 : i32
    scf.for %while3A_74 = %while3A_43 to %while3A_49 step %while3A_50  : i32 {
      %mul3A_75 = arith.constant 2 : i32
      %mul3A_76 = arith.muli %while3A_74, %mul3A_75 : i32
      %dma_wait3A_77 = arith.constant 0 : i32
      %dma_wait3A_78 = tpu.memref_slice %arg7[%mul3A_76, %dma_wait3A_77] : memref<80x128xi32, #tpu.memory_space<vmem>> -> memref<1x128xi32, #tpu.memory_space<vmem>>
      %dma_wait3A_79 = tpu.memref_squeeze %dma_wait3A_78 : memref<1x128xi32, #tpu.memory_space<vmem>> -> memref<128xi32, #tpu.memory_space<vmem>>
      %dma_wait3A_80 = arith.constant 0 : i32
      %dma_wait3A_81 = arith.constant 0 : i32
      %dma_wait3A_82 = tpu.memref_slice %arg2[%dma_wait3A_80, %dma_wait3A_81] : memref<80000x16xf32, #tpu.memory_space<hbm>> -> memref<80000x16xf32, #tpu.memory_space<hbm>>
      tpu.wait_indirect_dma semaphore(%arg12 : memref<!tpu.dma_semaphore, #tpu.memory_space<semaphore_mem>>) src(%dma_wait3A_82 : memref<80000x16xf32, #tpu.memory_space<hbm>>) dst(%arg9 : memref<128x16xf32, #tpu.memory_space<vmem>>)
      "tpu.region"() ({
        %run_scoped3A = tpu.sem_alloc : memref<!tpu.dma_semaphore, #tpu.memory_space<semaphore_mem>>
        %dma_start3A_107 = arith.constant 0 : i32
        %dma_start3A_108 = tpu.memref_slice %arg8[%mul3A_76, %dma_start3A_107] : memref<80x128xi32, #tpu.memory_space<vmem>> -> memref<1x128xi32, #tpu.memory_space<vmem>>
        %dma_start3A_109 = tpu.memref_squeeze %dma_start3A_108 : memref<1x128xi32, #tpu.memory_space<vmem>> -> memref<128xi32, #tpu.memory_space<vmem>>
        %dma_start3A_110 = arith.constant 0 : i32
        %dma_start3A_111 = arith.constant 0 : i32
        %dma_start3A_112 = tpu.memref_slice %arg11[%dma_start3A_110, %dma_start3A_111] : memref<20096x16xf32, #tpu.memory_space<vmem_shared>> -> memref<20096x16xf32, #tpu.memory_space<vmem_shared>>
        tpu.enqueue_indirect_dma source(%arg9 : memref<128x16xf32, #tpu.memory_space<vmem>>) target(%dma_start3A_112 : memref<20096x16xf32, #tpu.memory_space<vmem_shared>>) offsets(%dma_start3A_109 : memref<128xi32, #tpu.memory_space<vmem>>) semaphore(%run_scoped3A : memref<!tpu.dma_semaphore, #tpu.memory_space<semaphore_mem>>) {add = true}
        %dma_wait3A_113 = arith.constant 0 : i32
        %dma_wait3A_114 = tpu.memref_slice %arg8[%mul3A_76, %dma_wait3A_113] : memref<80x128xi32, #tpu.memory_space<vmem>> -> memref<1x128xi32, #tpu.memory_space<vmem>>
        %dma_wait3A_115 = tpu.memref_squeeze %dma_wait3A_114 : memref<1x128xi32, #tpu.memory_space<vmem>> -> memref<128xi32, #tpu.memory_space<vmem>>
        %dma_wait3A_116 = arith.constant 0 : i32
        %dma_wait3A_117 = arith.constant 0 : i32
        %dma_wait3A_118 = tpu.memref_slice %arg11[%dma_wait3A_116, %dma_wait3A_117] : memref<20096x16xf32, #tpu.memory_space<vmem_shared>> -> memref<20096x16xf32, #tpu.memory_space<vmem_shared>>
        tpu.wait_indirect_dma semaphore(%run_scoped3A : memref<!tpu.dma_semaphore, #tpu.memory_space<semaphore_mem>>) src(%arg9 : memref<128x16xf32, #tpu.memory_space<vmem>>) dst(%dma_wait3A_118 : memref<20096x16xf32, #tpu.memory_space<vmem_shared>>)
        tpu.yield
      }) : () -> ()
      %add3A_83 = arith.constant 2 : i32
      %add3A_84 = arith.addi %mul3A_76, %add3A_83 : i32
      %dma_start3A_85 = arith.constant 0 : i32
      %dma_start3A_86 = tpu.memref_slice %arg7[%add3A_84, %dma_start3A_85] : memref<80x128xi32, #tpu.memory_space<vmem>> -> memref<1x128xi32, #tpu.memory_space<vmem>>
      %dma_start3A_87 = tpu.memref_squeeze %dma_start3A_86 : memref<1x128xi32, #tpu.memory_space<vmem>> -> memref<128xi32, #tpu.memory_space<vmem>>
      %dma_start3A_88 = arith.constant 0 : i32
      %dma_start3A_89 = arith.constant 0 : i32
      %dma_start3A_90 = tpu.memref_slice %arg2[%dma_start3A_88, %dma_start3A_89] : memref<80000x16xf32, #tpu.memory_space<hbm>> -> memref<80000x16xf32, #tpu.memory_space<hbm>>
      tpu.enqueue_indirect_dma source(%dma_start3A_90 : memref<80000x16xf32, #tpu.memory_space<hbm>>) target(%arg9 : memref<128x16xf32, #tpu.memory_space<vmem>>) offsets(%dma_start3A_87 : memref<128xi32, #tpu.memory_space<vmem>>) semaphore(%arg12 : memref<!tpu.dma_semaphore, #tpu.memory_space<semaphore_mem>>)
      %add3A_91 = arith.constant 1 : i32
      %add3A_92 = arith.addi %mul3A_76, %add3A_91 : i32
      %dma_wait3A_93 = arith.constant 0 : i32
      %dma_wait3A_94 = tpu.memref_slice %arg7[%add3A_92, %dma_wait3A_93] : memref<80x128xi32, #tpu.memory_space<vmem>> -> memref<1x128xi32, #tpu.memory_space<vmem>>
      %dma_wait3A_95 = tpu.memref_squeeze %dma_wait3A_94 : memref<1x128xi32, #tpu.memory_space<vmem>> -> memref<128xi32, #tpu.memory_space<vmem>>
      %dma_wait3A_96 = arith.constant 0 : i32
      %dma_wait3A_97 = arith.constant 0 : i32
      %dma_wait3A_98 = tpu.memref_slice %arg2[%dma_wait3A_96, %dma_wait3A_97] : memref<80000x16xf32, #tpu.memory_space<hbm>> -> memref<80000x16xf32, #tpu.memory_space<hbm>>
      tpu.wait_indirect_dma semaphore(%arg13 : memref<!tpu.dma_semaphore, #tpu.memory_space<semaphore_mem>>) src(%dma_wait3A_98 : memref<80000x16xf32, #tpu.memory_space<hbm>>) dst(%arg10 : memref<128x16xf32, #tpu.memory_space<vmem>>)
      "tpu.region"() ({
        %run_scoped3A = tpu.sem_alloc : memref<!tpu.dma_semaphore, #tpu.memory_space<semaphore_mem>>
        %dma_start3A_107 = arith.constant 0 : i32
        %dma_start3A_108 = tpu.memref_slice %arg8[%add3A_92, %dma_start3A_107] : memref<80x128xi32, #tpu.memory_space<vmem>> -> memref<1x128xi32, #tpu.memory_space<vmem>>
        %dma_start3A_109 = tpu.memref_squeeze %dma_start3A_108 : memref<1x128xi32, #tpu.memory_space<vmem>> -> memref<128xi32, #tpu.memory_space<vmem>>
        %dma_start3A_110 = arith.constant 0 : i32
        %dma_start3A_111 = arith.constant 0 : i32
        %dma_start3A_112 = tpu.memref_slice %arg11[%dma_start3A_110, %dma_start3A_111] : memref<20096x16xf32, #tpu.memory_space<vmem_shared>> -> memref<20096x16xf32, #tpu.memory_space<vmem_shared>>
        tpu.enqueue_indirect_dma source(%arg10 : memref<128x16xf32, #tpu.memory_space<vmem>>) target(%dma_start3A_112 : memref<20096x16xf32, #tpu.memory_space<vmem_shared>>) offsets(%dma_start3A_109 : memref<128xi32, #tpu.memory_space<vmem>>) semaphore(%run_scoped3A : memref<!tpu.dma_semaphore, #tpu.memory_space<semaphore_mem>>) {add = true}
        %dma_wait3A_113 = arith.constant 0 : i32
        %dma_wait3A_114 = tpu.memref_slice %arg8[%add3A_92, %dma_wait3A_113] : memref<80x128xi32, #tpu.memory_space<vmem>> -> memref<1x128xi32, #tpu.memory_space<vmem>>
        %dma_wait3A_115 = tpu.memref_squeeze %dma_wait3A_114 : memref<1x128xi32, #tpu.memory_space<vmem>> -> memref<128xi32, #tpu.memory_space<vmem>>
        %dma_wait3A_116 = arith.constant 0 : i32
        %dma_wait3A_117 = arith.constant 0 : i32
        %dma_wait3A_118 = tpu.memref_slice %arg11[%dma_wait3A_116, %dma_wait3A_117] : memref<20096x16xf32, #tpu.memory_space<vmem_shared>> -> memref<20096x16xf32, #tpu.memory_space<vmem_shared>>
        tpu.wait_indirect_dma semaphore(%run_scoped3A : memref<!tpu.dma_semaphore, #tpu.memory_space<semaphore_mem>>) src(%arg10 : memref<128x16xf32, #tpu.memory_space<vmem>>) dst(%dma_wait3A_118 : memref<20096x16xf32, #tpu.memory_space<vmem_shared>>)
        tpu.yield
      }) : () -> ()
      %add3A_99 = arith.constant 3 : i32
      %add3A_100 = arith.addi %mul3A_76, %add3A_99 : i32
      %dma_start3A_101 = arith.constant 0 : i32
      %dma_start3A_102 = tpu.memref_slice %arg7[%add3A_100, %dma_start3A_101] : memref<80x128xi32, #tpu.memory_space<vmem>> -> memref<1x128xi32, #tpu.memory_space<vmem>>
      %dma_start3A_103 = tpu.memref_squeeze %dma_start3A_102 : memref<1x128xi32, #tpu.memory_space<vmem>> -> memref<128xi32, #tpu.memory_space<vmem>>
      %dma_start3A_104 = arith.constant 0 : i32
      %dma_start3A_105 = arith.constant 0 : i32
      %dma_start3A_106 = tpu.memref_slice %arg2[%dma_start3A_104, %dma_start3A_105] : memref<80000x16xf32, #tpu.memory_space<hbm>> -> memref<80000x16xf32, #tpu.memory_space<hbm>>
      tpu.enqueue_indirect_dma source(%dma_start3A_106 : memref<80000x16xf32, #tpu.memory_space<hbm>>) target(%arg10 : memref<128x16xf32, #tpu.memory_space<vmem>>) offsets(%dma_start3A_103 : memref<128xi32, #tpu.memory_space<vmem>>) semaphore(%arg13 : memref<!tpu.dma_semaphore, #tpu.memory_space<semaphore_mem>>)
    }
    %while3A_51 = arith.constant 1 : i32
    scf.for %while3A_74 = %while3A_49 to %while3A_45 step %while3A_51  : i32 {
      %mul3A_75 = arith.constant 2 : i32
      %mul3A_76 = arith.muli %while3A_74, %mul3A_75 : i32
      %dma_wait3A_77 = arith.constant 0 : i32
      %dma_wait3A_78 = tpu.memref_slice %arg7[%mul3A_76, %dma_wait3A_77] : memref<80x128xi32, #tpu.memory_space<vmem>> -> memref<1x128xi32, #tpu.memory_space<vmem>>
      %dma_wait3A_79 = tpu.memref_squeeze %dma_wait3A_78 : memref<1x128xi32, #tpu.memory_space<vmem>> -> memref<128xi32, #tpu.memory_space<vmem>>
      %dma_wait3A_80 = arith.constant 0 : i32
      %dma_wait3A_81 = arith.constant 0 : i32
      %dma_wait3A_82 = tpu.memref_slice %arg2[%dma_wait3A_80, %dma_wait3A_81] : memref<80000x16xf32, #tpu.memory_space<hbm>> -> memref<80000x16xf32, #tpu.memory_space<hbm>>
      tpu.wait_indirect_dma semaphore(%arg12 : memref<!tpu.dma_semaphore, #tpu.memory_space<semaphore_mem>>) src(%dma_wait3A_82 : memref<80000x16xf32, #tpu.memory_space<hbm>>) dst(%arg9 : memref<128x16xf32, #tpu.memory_space<vmem>>)
      "tpu.region"() ({
        %run_scoped3A = tpu.sem_alloc : memref<!tpu.dma_semaphore, #tpu.memory_space<semaphore_mem>>
        %dma_start3A_107 = arith.constant 0 : i32
        %dma_start3A_108 = tpu.memref_slice %arg8[%mul3A_76, %dma_start3A_107] : memref<80x128xi32, #tpu.memory_space<vmem>> -> memref<1x128xi32, #tpu.memory_space<vmem>>
        %dma_start3A_109 = tpu.memref_squeeze %dma_start3A_108 : memref<1x128xi32, #tpu.memory_space<vmem>> -> memref<128xi32, #tpu.memory_space<vmem>>
        %dma_start3A_110 = arith.constant 0 : i32
        %dma_start3A_111 = arith.constant 0 : i32
        %dma_start3A_112 = tpu.memref_slice %arg11[%dma_start3A_110, %dma_start3A_111] : memref<20096x16xf32, #tpu.memory_space<vmem_shared>> -> memref<20096x16xf32, #tpu.memory_space<vmem_shared>>
        tpu.enqueue_indirect_dma source(%arg9 : memref<128x16xf32, #tpu.memory_space<vmem>>) target(%dma_start3A_112 : memref<20096x16xf32, #tpu.memory_space<vmem_shared>>) offsets(%dma_start3A_109 : memref<128xi32, #tpu.memory_space<vmem>>) semaphore(%run_scoped3A : memref<!tpu.dma_semaphore, #tpu.memory_space<semaphore_mem>>) {add = true}
        %dma_wait3A_113 = arith.constant 0 : i32
        %dma_wait3A_114 = tpu.memref_slice %arg8[%mul3A_76, %dma_wait3A_113] : memref<80x128xi32, #tpu.memory_space<vmem>> -> memref<1x128xi32, #tpu.memory_space<vmem>>
        %dma_wait3A_115 = tpu.memref_squeeze %dma_wait3A_114 : memref<1x128xi32, #tpu.memory_space<vmem>> -> memref<128xi32, #tpu.memory_space<vmem>>
        %dma_wait3A_116 = arith.constant 0 : i32
        %dma_wait3A_117 = arith.constant 0 : i32
        %dma_wait3A_118 = tpu.memref_slice %arg11[%dma_wait3A_116, %dma_wait3A_117] : memref<20096x16xf32, #tpu.memory_space<vmem_shared>> -> memref<20096x16xf32, #tpu.memory_space<vmem_shared>>
        tpu.wait_indirect_dma semaphore(%run_scoped3A : memref<!tpu.dma_semaphore, #tpu.memory_space<semaphore_mem>>) src(%arg9 : memref<128x16xf32, #tpu.memory_space<vmem>>) dst(%dma_wait3A_118 : memref<20096x16xf32, #tpu.memory_space<vmem_shared>>)
        tpu.yield
      }) : () -> ()
      %add3A_83 = arith.constant 2 : i32
      %add3A_84 = arith.addi %mul3A_76, %add3A_83 : i32
      %dma_start3A_85 = arith.constant 0 : i32
      %dma_start3A_86 = tpu.memref_slice %arg7[%add3A_84, %dma_start3A_85] : memref<80x128xi32, #tpu.memory_space<vmem>> -> memref<1x128xi32, #tpu.memory_space<vmem>>
      %dma_start3A_87 = tpu.memref_squeeze %dma_start3A_86 : memref<1x128xi32, #tpu.memory_space<vmem>> -> memref<128xi32, #tpu.memory_space<vmem>>
      %dma_start3A_88 = arith.constant 0 : i32
      %dma_start3A_89 = arith.constant 0 : i32
      %dma_start3A_90 = tpu.memref_slice %arg2[%dma_start3A_88, %dma_start3A_89] : memref<80000x16xf32, #tpu.memory_space<hbm>> -> memref<80000x16xf32, #tpu.memory_space<hbm>>
      tpu.enqueue_indirect_dma source(%dma_start3A_90 : memref<80000x16xf32, #tpu.memory_space<hbm>>) target(%arg9 : memref<128x16xf32, #tpu.memory_space<vmem>>) offsets(%dma_start3A_87 : memref<128xi32, #tpu.memory_space<vmem>>) semaphore(%arg12 : memref<!tpu.dma_semaphore, #tpu.memory_space<semaphore_mem>>)
      %add3A_91 = arith.constant 1 : i32
      %add3A_92 = arith.addi %mul3A_76, %add3A_91 : i32
      %dma_wait3A_93 = arith.constant 0 : i32
      %dma_wait3A_94 = tpu.memref_slice %arg7[%add3A_92, %dma_wait3A_93] : memref<80x128xi32, #tpu.memory_space<vmem>> -> memref<1x128xi32, #tpu.memory_space<vmem>>
      %dma_wait3A_95 = tpu.memref_squeeze %dma_wait3A_94 : memref<1x128xi32, #tpu.memory_space<vmem>> -> memref<128xi32, #tpu.memory_space<vmem>>
      %dma_wait3A_96 = arith.constant 0 : i32
      %dma_wait3A_97 = arith.constant 0 : i32
      %dma_wait3A_98 = tpu.memref_slice %arg2[%dma_wait3A_96, %dma_wait3A_97] : memref<80000x16xf32, #tpu.memory_space<hbm>> -> memref<80000x16xf32, #tpu.memory_space<hbm>>
      tpu.wait_indirect_dma semaphore(%arg13 : memref<!tpu.dma_semaphore, #tpu.memory_space<semaphore_mem>>) src(%dma_wait3A_98 : memref<80000x16xf32, #tpu.memory_space<hbm>>) dst(%arg10 : memref<128x16xf32, #tpu.memory_space<vmem>>)
      "tpu.region"() ({
        %run_scoped3A = tpu.sem_alloc : memref<!tpu.dma_semaphore, #tpu.memory_space<semaphore_mem>>
        %dma_start3A_107 = arith.constant 0 : i32
        %dma_start3A_108 = tpu.memref_slice %arg8[%add3A_92, %dma_start3A_107] : memref<80x128xi32, #tpu.memory_space<vmem>> -> memref<1x128xi32, #tpu.memory_space<vmem>>
        %dma_start3A_109 = tpu.memref_squeeze %dma_start3A_108 : memref<1x128xi32, #tpu.memory_space<vmem>> -> memref<128xi32, #tpu.memory_space<vmem>>
        %dma_start3A_110 = arith.constant 0 : i32
        %dma_start3A_111 = arith.constant 0 : i32
        %dma_start3A_112 = tpu.memref_slice %arg11[%dma_start3A_110, %dma_start3A_111] : memref<20096x16xf32, #tpu.memory_space<vmem_shared>> -> memref<20096x16xf32, #tpu.memory_space<vmem_shared>>
        tpu.enqueue_indirect_dma source(%arg10 : memref<128x16xf32, #tpu.memory_space<vmem>>) target(%dma_start3A_112 : memref<20096x16xf32, #tpu.memory_space<vmem_shared>>) offsets(%dma_start3A_109 : memref<128xi32, #tpu.memory_space<vmem>>) semaphore(%run_scoped3A : memref<!tpu.dma_semaphore, #tpu.memory_space<semaphore_mem>>) {add = true}
        %dma_wait3A_113 = arith.constant 0 : i32
        %dma_wait3A_114 = tpu.memref_slice %arg8[%add3A_92, %dma_wait3A_113] : memref<80x128xi32, #tpu.memory_space<vmem>> -> memref<1x128xi32, #tpu.memory_space<vmem>>
        %dma_wait3A_115 = tpu.memref_squeeze %dma_wait3A_114 : memref<1x128xi32, #tpu.memory_space<vmem>> -> memref<128xi32, #tpu.memory_space<vmem>>
        %dma_wait3A_116 = arith.constant 0 : i32
        %dma_wait3A_117 = arith.constant 0 : i32
        %dma_wait3A_118 = tpu.memref_slice %arg11[%dma_wait3A_116, %dma_wait3A_117] : memref<20096x16xf32, #tpu.memory_space<vmem_shared>> -> memref<20096x16xf32, #tpu.memory_space<vmem_shared>>
        tpu.wait_indirect_dma semaphore(%run_scoped3A : memref<!tpu.dma_semaphore, #tpu.memory_space<semaphore_mem>>) src(%arg10 : memref<128x16xf32, #tpu.memory_space<vmem>>) dst(%dma_wait3A_118 : memref<20096x16xf32, #tpu.memory_space<vmem_shared>>)
        tpu.yield
      }) : () -> ()
      %add3A_99 = arith.constant 3 : i32
      %add3A_100 = arith.addi %mul3A_76, %add3A_99 : i32
      %dma_start3A_101 = arith.constant 0 : i32
      %dma_start3A_102 = tpu.memref_slice %arg7[%add3A_100, %dma_start3A_101] : memref<80x128xi32, #tpu.memory_space<vmem>> -> memref<1x128xi32, #tpu.memory_space<vmem>>
      %dma_start3A_103 = tpu.memref_squeeze %dma_start3A_102 : memref<1x128xi32, #tpu.memory_space<vmem>> -> memref<128xi32, #tpu.memory_space<vmem>>
      %dma_start3A_104 = arith.constant 0 : i32
      %dma_start3A_105 = arith.constant 0 : i32
      %dma_start3A_106 = tpu.memref_slice %arg2[%dma_start3A_104, %dma_start3A_105] : memref<80000x16xf32, #tpu.memory_space<hbm>> -> memref<80000x16xf32, #tpu.memory_space<hbm>>
      tpu.enqueue_indirect_dma source(%dma_start3A_106 : memref<80000x16xf32, #tpu.memory_space<hbm>>) target(%arg10 : memref<128x16xf32, #tpu.memory_space<vmem>>) offsets(%dma_start3A_103 : memref<128xi32, #tpu.memory_space<vmem>>) semaphore(%arg13 : memref<!tpu.dma_semaphore, #tpu.memory_space<semaphore_mem>>)
    }
    %sub3A_52 = arith.constant 2 : i32
    %sub3A_53 = arith.subi %add3A_1, %sub3A_52 : i32
    %dma_wait3A = arith.constant 0 : i32
    %dma_wait3A_54 = tpu.memref_slice %arg7[%sub3A_53, %dma_wait3A] : memref<80x128xi32, #tpu.memory_space<vmem>> -> memref<1x128xi32, #tpu.memory_space<vmem>>
    %dma_wait3A_55 = tpu.memref_squeeze %dma_wait3A_54 : memref<1x128xi32, #tpu.memory_space<vmem>> -> memref<128xi32, #tpu.memory_space<vmem>>
    %dma_wait3A_56 = arith.constant 0 : i32
    %dma_wait3A_57 = arith.constant 0 : i32
    %dma_wait3A_58 = tpu.memref_slice %arg2[%dma_wait3A_56, %dma_wait3A_57] : memref<80000x16xf32, #tpu.memory_space<hbm>> -> memref<80000x16xf32, #tpu.memory_space<hbm>>
    tpu.wait_indirect_dma semaphore(%arg12 : memref<!tpu.dma_semaphore, #tpu.memory_space<semaphore_mem>>) src(%dma_wait3A_58 : memref<80000x16xf32, #tpu.memory_space<hbm>>) dst(%arg9 : memref<128x16xf32, #tpu.memory_space<vmem>>)
    "tpu.region"() ({
      %run_scoped3A = tpu.sem_alloc : memref<!tpu.dma_semaphore, #tpu.memory_space<semaphore_mem>>
      %dma_start3A_74 = arith.constant 0 : i32
      %dma_start3A_75 = tpu.memref_slice %arg8[%sub3A_53, %dma_start3A_74] : memref<80x128xi32, #tpu.memory_space<vmem>> -> memref<1x128xi32, #tpu.memory_space<vmem>>
      %dma_start3A_76 = tpu.memref_squeeze %dma_start3A_75 : memref<1x128xi32, #tpu.memory_space<vmem>> -> memref<128xi32, #tpu.memory_space<vmem>>
      %dma_start3A_77 = arith.constant 0 : i32
      %dma_start3A_78 = arith.constant 0 : i32
      %dma_start3A_79 = tpu.memref_slice %arg11[%dma_start3A_77, %dma_start3A_78] : memref<20096x16xf32, #tpu.memory_space<vmem_shared>> -> memref<20096x16xf32, #tpu.memory_space<vmem_shared>>
      tpu.enqueue_indirect_dma source(%arg9 : memref<128x16xf32, #tpu.memory_space<vmem>>) target(%dma_start3A_79 : memref<20096x16xf32, #tpu.memory_space<vmem_shared>>) offsets(%dma_start3A_76 : memref<128xi32, #tpu.memory_space<vmem>>) semaphore(%run_scoped3A : memref<!tpu.dma_semaphore, #tpu.memory_space<semaphore_mem>>) {add = true}
      %dma_wait3A_80 = arith.constant 0 : i32
      %dma_wait3A_81 = tpu.memref_slice %arg8[%sub3A_53, %dma_wait3A_80] : memref<80x128xi32, #tpu.memory_space<vmem>> -> memref<1x128xi32, #tpu.memory_space<vmem>>
      %dma_wait3A_82 = tpu.memref_squeeze %dma_wait3A_81 : memref<1x128xi32, #tpu.memory_space<vmem>> -> memref<128xi32, #tpu.memory_space<vmem>>
      %dma_wait3A_83 = arith.constant 0 : i32
      %dma_wait3A_84 = arith.constant 0 : i32
      %dma_wait3A_85 = tpu.memref_slice %arg11[%dma_wait3A_83, %dma_wait3A_84] : memref<20096x16xf32, #tpu.memory_space<vmem_shared>> -> memref<20096x16xf32, #tpu.memory_space<vmem_shared>>
      tpu.wait_indirect_dma semaphore(%run_scoped3A : memref<!tpu.dma_semaphore, #tpu.memory_space<semaphore_mem>>) src(%arg9 : memref<128x16xf32, #tpu.memory_space<vmem>>) dst(%dma_wait3A_85 : memref<20096x16xf32, #tpu.memory_space<vmem_shared>>)
      tpu.yield
    }) : () -> ()
    %sub3A_59 = arith.constant 1 : i32
    %sub3A_60 = arith.subi %add3A_1, %sub3A_59 : i32
    %dma_wait3A_61 = arith.constant 0 : i32
    %dma_wait3A_62 = tpu.memref_slice %arg7[%sub3A_60, %dma_wait3A_61] : memref<80x128xi32, #tpu.memory_space<vmem>> -> memref<1x128xi32, #tpu.memory_space<vmem>>
    %dma_wait3A_63 = tpu.memref_squeeze %dma_wait3A_62 : memref<1x128xi32, #tpu.memory_space<vmem>> -> memref<128xi32, #tpu.memory_space<vmem>>
    %dma_wait3A_64 = arith.constant 0 : i32
    %dma_wait3A_65 = arith.constant 0 : i32
    %dma_wait3A_66 = tpu.memref_slice %arg2[%dma_wait3A_64, %dma_wait3A_65] : memref<80000x16xf32, #tpu.memory_space<hbm>> -> memref<80000x16xf32, #tpu.memory_space<hbm>>
    tpu.wait_indirect_dma semaphore(%arg13 : memref<!tpu.dma_semaphore, #tpu.memory_space<semaphore_mem>>) src(%dma_wait3A_66 : memref<80000x16xf32, #tpu.memory_space<hbm>>) dst(%arg10 : memref<128x16xf32, #tpu.memory_space<vmem>>)
    "tpu.region"() ({
      %run_scoped3A = tpu.sem_alloc : memref<!tpu.dma_semaphore, #tpu.memory_space<semaphore_mem>>
      %dma_start3A_74 = arith.constant 0 : i32
      %dma_start3A_75 = tpu.memref_slice %arg8[%sub3A_60, %dma_start3A_74] : memref<80x128xi32, #tpu.memory_space<vmem>> -> memref<1x128xi32, #tpu.memory_space<vmem>>
      %dma_start3A_76 = tpu.memref_squeeze %dma_start3A_75 : memref<1x128xi32, #tpu.memory_space<vmem>> -> memref<128xi32, #tpu.memory_space<vmem>>
      %dma_start3A_77 = arith.constant 0 : i32
      %dma_start3A_78 = arith.constant 0 : i32
      %dma_start3A_79 = tpu.memref_slice %arg11[%dma_start3A_77, %dma_start3A_78] : memref<20096x16xf32, #tpu.memory_space<vmem_shared>> -> memref<20096x16xf32, #tpu.memory_space<vmem_shared>>
      tpu.enqueue_indirect_dma source(%arg10 : memref<128x16xf32, #tpu.memory_space<vmem>>) target(%dma_start3A_79 : memref<20096x16xf32, #tpu.memory_space<vmem_shared>>) offsets(%dma_start3A_76 : memref<128xi32, #tpu.memory_space<vmem>>) semaphore(%run_scoped3A : memref<!tpu.dma_semaphore, #tpu.memory_space<semaphore_mem>>) {add = true}
      %dma_wait3A_80 = arith.constant 0 : i32
      %dma_wait3A_81 = tpu.memref_slice %arg8[%sub3A_60, %dma_wait3A_80] : memref<80x128xi32, #tpu.memory_space<vmem>> -> memref<1x128xi32, #tpu.memory_space<vmem>>
      %dma_wait3A_82 = tpu.memref_squeeze %dma_wait3A_81 : memref<1x128xi32, #tpu.memory_space<vmem>> -> memref<128xi32, #tpu.memory_space<vmem>>
      %dma_wait3A_83 = arith.constant 0 : i32
      %dma_wait3A_84 = arith.constant 0 : i32
      %dma_wait3A_85 = tpu.memref_slice %arg11[%dma_wait3A_83, %dma_wait3A_84] : memref<20096x16xf32, #tpu.memory_space<vmem_shared>> -> memref<20096x16xf32, #tpu.memory_space<vmem_shared>>
      tpu.wait_indirect_dma semaphore(%run_scoped3A : memref<!tpu.dma_semaphore, #tpu.memory_space<semaphore_mem>>) src(%arg10 : memref<128x16xf32, #tpu.memory_space<vmem>>) dst(%dma_wait3A_85 : memref<20096x16xf32, #tpu.memory_space<vmem_shared>>)
      tpu.yield
    }) : () -> ()
    %barrier3A_67 = arith.constant 0 : index
    tpu.barrier barrier_id(%barrier3A_67)
    %mul3A_68 = arith.constant 1256 : i32
    %mul3A_69 = arith.muli %arg1, %mul3A_68 : i32
    %mul3A_70 = arith.constant 1256 : i32
    %mul3A_71 = arith.muli %arg1, %mul3A_70 : i32
    %mul3A_72 = arith.constant 16 : i32
    %mul3A_73 = arith.muli %arg0, %mul3A_72 : i32
    "tpu.region"() ({
      %run_scoped3A = tpu.sem_alloc : memref<!tpu.dma_semaphore, #tpu.memory_space<semaphore_mem>>
      %dma_start3A_74 = tpu.memref_slice %arg6[%mul3A_71, %mul3A_73] : memref<20096x128xf32, #tpu.memory_space<hbm>> -> memref<1256x16xf32, #tpu.memory_space<hbm>>
      %dma_start3A_75 = arith.constant 0 : i32
      %dma_start3A_76 = tpu.memref_slice %arg11[%mul3A_69, %dma_start3A_75] : memref<20096x16xf32, #tpu.memory_space<vmem_shared>> -> memref<1256x16xf32, #tpu.memory_space<vmem_shared>>
      tpu.enqueue_dma source(%dma_start3A_76 : memref<1256x16xf32, #tpu.memory_space<vmem_shared>>) target(%dma_start3A_74 : memref<1256x16xf32, #tpu.memory_space<hbm>>) target_semaphore(%run_scoped3A : memref<!tpu.dma_semaphore, #tpu.memory_space<semaphore_mem>>)
      %dma_wait3A_77 = tpu.memref_slice %arg6[%mul3A_71, %mul3A_73] : memref<20096x128xf32, #tpu.memory_space<hbm>> -> memref<1256x16xf32, #tpu.memory_space<hbm>>
      %dma_wait3A_78 = arith.constant 0 : i32
      %dma_wait3A_79 = tpu.memref_slice %arg11[%mul3A_69, %dma_wait3A_78] : memref<20096x16xf32, #tpu.memory_space<vmem_shared>> -> memref<1256x16xf32, #tpu.memory_space<vmem_shared>>
      tpu.wait_dma2 semaphore(%run_scoped3A : memref<!tpu.dma_semaphore, #tpu.memory_space<semaphore_mem>>) src(%dma_wait3A_79 : memref<1256x16xf32, #tpu.memory_space<vmem_shared>>) dst(%dma_wait3A_77 : memref<1256x16xf32, #tpu.memory_space<hbm>>)
      tpu.yield
    }) : () -> ()
    return
  }
}

module attributes {stable_mosaic.version = 14 : i64} {
  func.func @_tc_a_body(%arg0: memref<10000x128xf32, #tpu.memory_space<vmem>>, %arg1: memref<128x64xf32, #tpu.memory_space<vmem>>, %arg2: memref<2x2560x128xi32, #tpu.memory_space<vmem>>, %arg3: memref<2560x128xi32, #tpu.memory_space<vmem>>, %arg4: memref<10000x128xf32, #tpu.memory_space<vmem>>, %arg5: memref<2560x128xi32, #tpu.memory_space<vmem>>, %arg6: memref<2560x128xi32, #tpu.memory_space<vmem>>, %arg7: memref<2560x128xi32, #tpu.memory_space<vmem>>) attributes {dimension_semantics = [], scalar_prefetch = 0 : i64, scratch_operands = 0 : i64, tpu.core_type = #tpu.core_type<tc>} {
    %get3A = arith.constant 0 : index
    %get3A_0 = arith.constant 0 : index
    %get3A_1 = vector.load %arg0[%get3A, %get3A_0] : memref<10000x128xf32, #tpu.memory_space<vmem>>, vector<10000x128xf32>
    %get3A_2 = arith.constant 0 : index
    %get3A_3 = arith.constant 0 : index
    %get3A_4 = vector.load %arg1[%get3A_2, %get3A_3] : memref<128x64xf32, #tpu.memory_space<vmem>>, vector<128x64xf32>
    %dot_general3A = arith.constant dense<0.000000e+00> : vector<10000x64xf32>
    %dot_general3A_5 = tpu.matmul %get3A_1, %get3A_4, %dot_general3A {dimension_numbers = #tpu.dot_dimension_numbers<[1], [0], [0], [1], [0, 0, 1, 1], [], []>, transpose_lhs_hint = false} : vector<10000x128xf32>, vector<128x64xf32>, vector<10000x64xf32> -> vector<10000x64xf32>
    %swap3A = arith.constant 0 : index
    %swap3A_6 = arith.constant 0 : index
    %swap3A_7 = vector.load %arg4[%swap3A, %swap3A_6] : memref<10000x128xf32, #tpu.memory_space<vmem>>, vector<10000x64xf32>
    tpu.vector_store %arg4[%swap3A, %swap3A_6], %dot_general3A_5 {strides = array<i32>} : memref<10000x128xf32, #tpu.memory_space<vmem>>, vector<10000x64xf32>,
    %get3A_8 = arith.constant 0 : index
    %get3A_9 = arith.constant 0 : index
    %get3A_10 = arith.constant 0 : index
    %get3A_11 = vector.load %arg2[%get3A_8, %get3A_9, %get3A_10] : memref<2x2560x128xi32, #tpu.memory_space<vmem>>, vector<1x2560x128xi32>
    %get3A_12 = vector.shape_cast %get3A_11 : vector<1x2560x128xi32> to vector<2560x128xi32>
    %get3A_13 = arith.constant 1 : index
    %get3A_14 = arith.constant 0 : index
    %get3A_15 = arith.constant 0 : index
    %get3A_16 = vector.load %arg2[%get3A_13, %get3A_14, %get3A_15] : memref<2x2560x128xi32, #tpu.memory_space<vmem>>, vector<1x2560x128xi32>
    %get3A_17 = vector.shape_cast %get3A_16 : vector<1x2560x128xi32> to vector<2560x128xi32>
    %get3A_18 = arith.constant 0 : index
    %get3A_19 = arith.constant 0 : index
    %get3A_20 = vector.load %arg3[%get3A_18, %get3A_19] : memref<2560x128xi32, #tpu.memory_space<vmem>>, vector<2560x128xi32>
    %mul3A = arith.constant 8 : i32
    %mul3A_21 = vector.broadcast %mul3A : i32 to vector<2560x128xi32>
    %mul3A_22 = arith.muli %get3A_12, %mul3A_21 : vector<2560x128xi32>
    %add3A = arith.addi %mul3A_22, %get3A_20 : vector<2560x128xi32>
    %swap3A_23 = arith.constant 0 : index
    %swap3A_24 = arith.constant 0 : index
    %swap3A_25 = vector.load %arg5[%swap3A_23, %swap3A_24] : memref<2560x128xi32, #tpu.memory_space<vmem>>, vector<2560x128xi32>
    tpu.vector_store %arg5[%swap3A_23, %swap3A_24], %add3A {strides = array<i32>} : memref<2560x128xi32, #tpu.memory_space<vmem>>, vector<2560x128xi32>,
    %mul3A_26 = arith.constant 10048 : i32
    %mul3A_27 = vector.broadcast %mul3A_26 : i32 to vector<2560x128xi32>
    %mul3A_28 = arith.muli %mul3A_27, %get3A_20 : vector<2560x128xi32>
    %add3A_29 = arith.addi %get3A_17, %mul3A_28 : vector<2560x128xi32>
    %swap3A_30 = arith.constant 0 : index
    %swap3A_31 = arith.constant 0 : index
    %swap3A_32 = vector.load %arg6[%swap3A_30, %swap3A_31] : memref<2560x128xi32, #tpu.memory_space<vmem>>, vector<2560x128xi32>
    tpu.vector_store %arg6[%swap3A_30, %swap3A_31], %add3A_29 {strides = array<i32>} : memref<2560x128xi32, #tpu.memory_space<vmem>>, vector<2560x128xi32>,
    %mul3A_33 = arith.constant 8 : i32
    %mul3A_34 = vector.broadcast %mul3A_33 : i32 to vector<2560x128xi32>
    %mul3A_35 = arith.muli %get3A_12, %mul3A_34 : vector<2560x128xi32>
    %add3A_36 = arith.constant 1 : i32
    %add3A_37 = vector.broadcast %add3A_36 : i32 to vector<2560x128xi32>
    %add3A_38 = arith.addi %mul3A_35, %add3A_37 : vector<2560x128xi32>
    %swap3A_39 = arith.constant 0 : index
    %swap3A_40 = arith.constant 0 : index
    %swap3A_41 = vector.load %arg7[%swap3A_39, %swap3A_40] : memref<2560x128xi32, #tpu.memory_space<vmem>>, vector<2560x128xi32>
    tpu.vector_store %arg7[%swap3A_39, %swap3A_40], %add3A_38 {strides = array<i32>} : memref<2560x128xi32, #tpu.memory_space<vmem>>, vector<2560x128xi32>,
    return
  }
}

module attributes {stable_mosaic.version = 14 : i64} {
  func.func @_tc_c_body(%arg0: memref<10000x128xf32, #tpu.memory_space<vmem>>, %arg1: memref<20096x128xf32, #tpu.memory_space<vmem>>, %arg2: memref<1x16xf32, #tpu.memory_space<vmem>>, %arg3: memref<1x16xf32, #tpu.memory_space<vmem>>, %arg4: memref<32x16xf32, #tpu.memory_space<vmem>>, %arg5: memref<32x16xf32, #tpu.memory_space<vmem>>, %arg6: memref<10000x128xf32, #tpu.memory_space<vmem>>) attributes {dimension_semantics = [], scalar_prefetch = 0 : i64, scratch_operands = 0 : i64, tpu.core_type = #tpu.core_type<tc>} {
    %get3A = arith.constant 0 : index
    %get3A_0 = arith.constant 0 : index
    %get3A_1 = vector.load %arg1[%get3A, %get3A_0] : memref<20096x128xf32, #tpu.memory_space<vmem>>, vector<10000x16xf32>
    %get3A_2 = arith.constant 0 : index
    %get3A_3 = arith.constant 16 : index
    %get3A_4 = vector.load %arg1[%get3A_2, %get3A_3] : memref<20096x128xf32, #tpu.memory_space<vmem>>, vector<10000x16xf32>
    %add3A = arith.addf %get3A_1, %get3A_4 : vector<10000x16xf32>
    %get3A_5 = arith.constant 10048 : index
    %get3A_6 = arith.constant 0 : index
    %get3A_7 = vector.load %arg1[%get3A_5, %get3A_6] : memref<20096x128xf32, #tpu.memory_space<vmem>>, vector<10000x16xf32>
    %get3A_8 = arith.constant 10048 : index
    %get3A_9 = arith.constant 16 : index
    %get3A_10 = vector.load %arg1[%get3A_8, %get3A_9] : memref<20096x128xf32, #tpu.memory_space<vmem>>, vector<10000x16xf32>
    %add3A_11 = arith.addf %get3A_7, %get3A_10 : vector<10000x16xf32>
    %get3A_12 = arith.constant 0 : index
    %get3A_13 = arith.constant 32 : index
    %get3A_14 = vector.load %arg0[%get3A_12, %get3A_13] : memref<10000x128xf32, #tpu.memory_space<vmem>>, vector<10000x16xf32>
    %add3A_15 = arith.addf %get3A_14, %add3A : vector<10000x16xf32>
    %get3A_16 = arith.constant 0 : index
    %get3A_17 = arith.constant 0 : index
    %get3A_18 = vector.load %arg2[%get3A_16, %get3A_17] : memref<1x16xf32, #tpu.memory_space<vmem>>, vector<1x16xf32>
    %add3A_19 = vector.broadcast %get3A_18 : vector<1x16xf32> to vector<10000x16xf32>
    %add3A_20 = arith.addf %add3A_15, %add3A_19 : vector<10000x16xf32>
    %max3A = arith.constant 0.000000e+00 : f32
    %max3A_21 = vector.broadcast %max3A : f32 to vector<10000x16xf32>
    %max3A_22 = arith.maximumf %add3A_20, %max3A_21 : vector<10000x16xf32>
    %get3A_23 = arith.constant 0 : index
    %get3A_24 = arith.constant 48 : index
    %get3A_25 = vector.load %arg0[%get3A_23, %get3A_24] : memref<10000x128xf32, #tpu.memory_space<vmem>>, vector<10000x16xf32>
    %add3A_26 = arith.addf %get3A_25, %add3A_11 : vector<10000x16xf32>
    %get3A_27 = arith.constant 0 : index
    %get3A_28 = arith.constant 0 : index
    %get3A_29 = vector.load %arg3[%get3A_27, %get3A_28] : memref<1x16xf32, #tpu.memory_space<vmem>>, vector<1x16xf32>
    %add3A_30 = vector.broadcast %get3A_29 : vector<1x16xf32> to vector<10000x16xf32>
    %add3A_31 = arith.addf %add3A_26, %add3A_30 : vector<10000x16xf32>
    %max3A_32 = arith.constant 0.000000e+00 : f32
    %max3A_33 = vector.broadcast %max3A_32 : f32 to vector<10000x16xf32>
    %max3A_34 = arith.maximumf %add3A_31, %max3A_33 : vector<10000x16xf32>
    %get3A_35 = arith.constant 0 : index
    %get3A_36 = arith.constant 0 : index
    %get3A_37 = vector.load %arg4[%get3A_35, %get3A_36] : memref<32x16xf32, #tpu.memory_space<vmem>>, vector<32x16xf32>
    %get3A_38 = arith.constant 0 : index
    %get3A_39 = arith.constant 0 : index
    %get3A_40 = vector.load %arg5[%get3A_38, %get3A_39] : memref<32x16xf32, #tpu.memory_space<vmem>>, vector<32x16xf32>
    %slice3A = vector.extract_strided_slice %get3A_37 {offsets = [0, 0], sizes = [16, 16], strides = [1, 1]} : vector<32x16xf32> to vector<16x16xf32>
    %dot_general3A = arith.constant dense<0.000000e+00> : vector<10000x16xf32>
    %dot_general3A_41 = tpu.matmul %max3A_22, %slice3A, %dot_general3A {dimension_numbers = #tpu.dot_dimension_numbers<[1], [0], [0], [1], [0, 0, 1, 1], [], []>, transpose_lhs_hint = false} : vector<10000x16xf32>, vector<16x16xf32>, vector<10000x16xf32> -> vector<10000x16xf32>
    %slice3A_42 = vector.extract_strided_slice %get3A_37 {offsets = [16, 0], sizes = [16, 16], strides = [1, 1]} : vector<32x16xf32> to vector<16x16xf32>
    %dot_general3A_43 = arith.constant dense<0.000000e+00> : vector<10000x16xf32>
    %dot_general3A_44 = tpu.matmul %max3A_34, %slice3A_42, %dot_general3A_43 {dimension_numbers = #tpu.dot_dimension_numbers<[1], [0], [0], [1], [0, 0, 1, 1], [], []>, transpose_lhs_hint = false} : vector<10000x16xf32>, vector<16x16xf32>, vector<10000x16xf32> -> vector<10000x16xf32>
    %add3A_45 = arith.addf %dot_general3A_41, %dot_general3A_44 : vector<10000x16xf32>
    %swap3A = arith.constant 0 : index
    %swap3A_46 = arith.constant 0 : index
    %swap3A_47 = vector.load %arg6[%swap3A, %swap3A_46] : memref<10000x128xf32, #tpu.memory_space<vmem>>, vector<10000x16xf32>
    tpu.vector_store %arg6[%swap3A, %swap3A_46], %add3A_45 {strides = array<i32>} : memref<10000x128xf32, #tpu.memory_space<vmem>>, vector<10000x16xf32>,
    %slice3A_48 = vector.extract_strided_slice %get3A_40 {offsets = [0, 0], sizes = [16, 16], strides = [1, 1]} : vector<32x16xf32> to vector<16x16xf32>
    %dot_general3A_49 = arith.constant dense<0.000000e+00> : vector<10000x16xf32>
    %dot_general3A_50 = tpu.matmul %max3A_22, %slice3A_48, %dot_general3A_49 {dimension_numbers = #tpu.dot_dimension_numbers<[1], [0], [0], [1], [0, 0, 1, 1], [], []>, transpose_lhs_hint = false} : vector<10000x16xf32>, vector<16x16xf32>, vector<10000x16xf32> -> vector<10000x16xf32>
    %slice3A_51 = vector.extract_strided_slice %get3A_40 {offsets = [16, 0], sizes = [16, 16], strides = [1, 1]} : vector<32x16xf32> to vector<16x16xf32>
    %dot_general3A_52 = arith.constant dense<0.000000e+00> : vector<10000x16xf32>
    %dot_general3A_53 = tpu.matmul %max3A_34, %slice3A_51, %dot_general3A_52 {dimension_numbers = #tpu.dot_dimension_numbers<[1], [0], [0], [1], [0, 0, 1, 1], [], []>, transpose_lhs_hint = false} : vector<10000x16xf32>, vector<16x16xf32>, vector<10000x16xf32> -> vector<10000x16xf32>
    %add3A_54 = arith.addf %dot_general3A_50, %dot_general3A_53 : vector<10000x16xf32>
    %swap3A_55 = arith.constant 0 : index
    %swap3A_56 = arith.constant 16 : index
    %swap3A_57 = vector.load %arg6[%swap3A_55, %swap3A_56] : memref<10000x128xf32, #tpu.memory_space<vmem>>, vector<10000x16xf32>
    tpu.vector_store %arg6[%swap3A_55, %swap3A_56], %add3A_54 {strides = array<i32>} : memref<10000x128xf32, #tpu.memory_space<vmem>>, vector<10000x16xf32>,
    return
  }
}

module attributes {stable_mosaic.version = 14 : i64} {
  func.func @_tc_e_body(%arg0: memref<10000x128xf32, #tpu.memory_space<vmem>>, %arg1: memref<10112x128xf32, #tpu.memory_space<vmem>>, %arg2: memref<1x16xf32, #tpu.memory_space<vmem>>, %arg3: memref<10000x16xf32, #tpu.memory_space<vmem>>) attributes {dimension_semantics = [], scalar_prefetch = 0 : i64, scratch_operands = 0 : i64, tpu.core_type = #tpu.core_type<tc>} {
    %get3A = arith.constant 0 : index
    %get3A_0 = arith.constant 0 : index
    %get3A_1 = vector.load %arg0[%get3A, %get3A_0] : memref<10000x128xf32, #tpu.memory_space<vmem>>, vector<10000x16xf32>
    %get3A_2 = arith.constant 0 : index
    %get3A_3 = arith.constant 0 : index
    %get3A_4 = vector.load %arg1[%get3A_2, %get3A_3] : memref<10112x128xf32, #tpu.memory_space<vmem>>, vector<10000x16xf32>
    %add3A = arith.addf %get3A_1, %get3A_4 : vector<10000x16xf32>
    %get3A_5 = arith.constant 0 : index
    %get3A_6 = arith.constant 16 : index
    %get3A_7 = vector.load %arg1[%get3A_5, %get3A_6] : memref<10112x128xf32, #tpu.memory_space<vmem>>, vector<10000x16xf32>
    %add3A_8 = arith.addf %add3A, %get3A_7 : vector<10000x16xf32>
    %get3A_9 = arith.constant 0 : index
    %get3A_10 = arith.constant 0 : index
    %get3A_11 = vector.load %arg2[%get3A_9, %get3A_10] : memref<1x16xf32, #tpu.memory_space<vmem>>, vector<1x16xf32>
    %add3A_12 = vector.broadcast %get3A_11 : vector<1x16xf32> to vector<10000x16xf32>
    %add3A_13 = arith.addf %add3A_8, %add3A_12 : vector<10000x16xf32>
    %reduce_max3A = arith.constant dense<0xFF800000> : vector<10000xf32>
    %reduce_max3A_14 = vector.multi_reduction <maximumf>, %add3A_13, %reduce_max3A [1] : vector<10000x16xf32> to vector<10000xf32>
    %broadcast_in_dim3A = vector.shape_cast %reduce_max3A_14 : vector<10000xf32> to vector<10000x1xf32>
    %sub3A = vector.broadcast %broadcast_in_dim3A : vector<10000x1xf32> to vector<10000x16xf32>
    %sub3A_15 = arith.subf %add3A_13, %sub3A : vector<10000x16xf32>
    %exp3A = math.exp %sub3A_15 : vector<10000x16xf32>
    %reduce_sum3A = arith.constant dense<0.000000e+00> : vector<10000xf32>
    %reduce_sum3A_16 = vector.multi_reduction <add>, %exp3A, %reduce_sum3A [1] : vector<10000x16xf32> to vector<10000xf32>
    %broadcast_in_dim3A_17 = vector.shape_cast %reduce_sum3A_16 : vector<10000xf32> to vector<10000x1xf32>
    %log3A = math.log %broadcast_in_dim3A_17 : vector<10000x1xf32>
    %add3A_18 = arith.addf %broadcast_in_dim3A, %log3A : vector<10000x1xf32>
    %sub3A_19 = vector.broadcast %add3A_18 : vector<10000x1xf32> to vector<10000x16xf32>
    %sub3A_20 = arith.subf %add3A_13, %sub3A_19 : vector<10000x16xf32>
    %swap3A = arith.constant 0 : index
    %swap3A_21 = arith.constant 0 : index
    %swap3A_22 = vector.load %arg3[%swap3A, %swap3A_21] : memref<10000x16xf32, #tpu.memory_space<vmem>>, vector<10000x16xf32>
    tpu.vector_store %arg3[%swap3A, %swap3A_21], %sub3A_20 {strides = array<i32>} : memref<10000x16xf32, #tpu.memory_space<vmem>>, vector<10000x16xf32>,
    return
  }
}

</mosaic_0001>

<sc_bundles>
// kernel: kernel.10.cloned.1.call-start
scs
__scs_entry_jumppad:
0x0: {  	(pc) =	sbr.rel $0x88, $3  }
0x1: {  	(tag) =	ssettag $0x0;
	lr =	simm.s32 $0x1  }
0x2: {  	[smem:$0x3F95] =	sst lr;
	_ =	strace $0xD0000000  }
0x3: {  	_ = 	snop  }
0x4: {  	_ = 	snop  }
0x5: {  	_ = 	snop  }
0x6: {  	_ = 	snop  }
0x7: {  	_ = 	snop  }
__scs_overlays_trampoline_lowered:
0x8: {  	[smem:$0x3FA4] =	sst s0  }
0x9: {  	[smem:$0x3FA5] =	sst s1  }
0xa: {  	[smem:$0x3FA6] =	sst s2  }
0xb: {  	[smem:$0x3FA7] =	sst s3  }
0xc: {  	[smem:$0x3FA8] =	sst s4  }
0xd: {  	[smem:$0x3FA9] =	sst s5  }
0xe: {  	[smem:$0x3FAA] =	sst s6  }
0xf: {  	[smem:$0x3FAB] =	sst s7  }
0x10: {  	[smem:$0x3FAC] =	sst s8  }
0x11: {  	[smem:$0x3FAD] =	sst s9;
	s0 =	simm.s32 @!p0 $0x0  }
0x12: {  	s1 =	sld [smem:$0x3F93];
	s0 =	simm.s32 @p0 $0x1  }
0x13: {  	[smem:$0x3FAE] =	sst s0;
	s0 =	simm.s32 @!p1 $0x0  }
0x14: {  	s2 =	sld [smem:$0x3F92];
	s0 =	simm.s32 @p1 $0x1  }
0x15: {  	[smem:$0x3FAF] =	sst s0;
	s0 =	simm.s32 @!p2 $0x0  }
0x16: {  	s3 =	sld [smem:$0x3FDB];
	s0 =	simm.s32 @p2 $0x1  }
0x17: {  	s4 =	simm.s32 $0x1BF5;
	[smem:$0x3FB1] =	sst s0  }
0x18: {  	s0 =	sld [smem:$0x3F94];
	_ =	swait.ge [sflag:s4], $0x0  }
0x19: {  	s7 =	sld [smem:$0x3F95]  }
0x1a: {  	s8 =	sadd.s32 $0xFFFFE003, lr  }
0x1b: {  	s9 =	sadd.s32 $0xFFFFFEF7, lr;
	s5 =	simm.s32 $0xFFFFFFFF;
	p2 =	slt.u32 s8, $0xFFFFF086  }
0x1c: {  	p1 =	slt.u32 s9, $0xF7A;
	s5 =	simm.s32 @!p2 $0x0  }
0x1d: {  	s5 =	simm.s32 @p1 $0x1;
	p0 =	seq.s32 s7, s2  }
0x1e: {  	s7 =	smul.u32 @!p0 $0xF7A, s2;
	p2 =	seq.s32 @!p0 s5, $0x0  }
0x1f: {  	s9 =	smul.u32 $0xF7A, s1;
	s8 =	simm.s32 @!p0 $0x1BF5;
	p2 =	por !p2, p0  }
0x20: {  	[sflag:s8] =	ssyncset.s32 @!p0 $0xFFFFF086;
	s6 =	sadd.s32 @!p0 s3, s7;
	s7 =	simm.s32 @!p0 $0x108  }
0x21: {  	s3 =	sadd.s32 s3, s9;
	s6 =	sadd.s32 @!p0 $0x88, s6;
	s7 =	simm.s32 @p2 $0x1082  }
0x22: {  	[simem:s7], [sflag:s8] =	dma.local @!p0 [hbm:s6], $0xF7A  }
0x23: {  	s9 =	sor.u32 $0xD0000000, s2;
	s6 =	simm.s32 $0x108;
	_ =	swait.ge @!p0 [sflag:s8], $0x0  }
0x24: {  	s3 =	sadd.s32 $0x88, s3;
	s6 =	simm.s32 @!p1 $0x1082;
	[sflag:s4] =	ssyncset.s32 $0xFFFFF086  }
0x25: {  	[simem:s6], [sflag:s4] =	dma.local [hbm:s3], $0xF7A  }
0x26: {  	[smem:$0x3F95] =	sst s1;
	(tag) =	ssettag s2;
	_ =	strace s9  }
0x27: {  	s1 =	sld [smem:$0x3FA5]  }
0x28: {  	s2 =	sld [smem:$0x3FA6]  }
0x29: {  	s4 =	sld [smem:$0x3FA8]  }
0x2a: {  	p0 =	seq.s32 s5, $0x0;
	s5 =	sld [smem:$0x3FA9]  }
0x2b: {  	s6 =	sld [smem:$0x3FAA]  }
0x2c: {  	s7 =	sld [smem:$0x3FAB]  }
0x2d: {  	s3 =	simm.s32 $0x108;
	s8 =	sld [smem:$0x3FAC]  }
0x2e: {  	s3 =	simm.s32 @!p0 $0x1082;
	s9 =	sld [smem:$0x3FAD]  }
0x2f: {  	lr =	sadd.s32 s0, s3;
	s0 =	sld [smem:$0x3FA4]  }
0x30: {  	s3 =	sld [smem:$0x3FA7]  }
0x31: {  	[smem:$0x3FB0] =	sst s10  }
0x32: {  	s10 =	sld [smem:$0x3FAE];
	_ =	sdelay $0x3  }
0x33: {  	p0 =	seq.s32 s10, $0x1;
	s10 =	sld [smem:$0x3FB0];
	_ =	sdelay $0x3  }
0x34: {  	[smem:$0x3FB0] =	sst s10  }
0x35: {  	s10 =	sld [smem:$0x3FAF];
	_ =	sdelay $0x3  }
0x36: {  	p1 =	seq.s32 s10, $0x1;
	s10 =	sld [smem:$0x3FB0];
	_ =	sdelay $0x3  }
0x37: {  	[smem:$0x3FB0] =	sst s10  }
0x38: {  	s10 =	sld [smem:$0x3FB1]  }
0x39: {  	_ = 	snop;
	(pc) =	sbr.ind lr, $3  }
0x3a: {  	_ = 	snop  }
0x3b: {  	_ = 	snop  }
0x3c: {  	p2 =	seq.s32 s10, $0x1;
	s10 =	sld [smem:$0x3FB0]  }
0x3d: {  	_ =	shalt  }
0x3e: {  	_ =	shalt  }
0x3f: {  	_ =	shalt  }
0x40: {  	_ =	shalt  }
0x41: {  	_ =	shalt  }
0x42: {  	_ =	shalt  }
0x43: {  	_ =	shalt  }
0x44: {  	_ =	shalt  }
0x45: {  	_ =	shalt  }
0x46: {  	_ =	shalt  }
0x47: {  	_ =	shalt  }
0x48: {  	_ =	shalt  }
0x49: {  	_ =	shalt  }
0x4a: {  	_ =	shalt  }
0x4b: {  	_ =	shalt  }
0x4c: {  	_ =	shalt  }
0x4d: {  	_ =	shalt  }
0x4e: {  	_ =	shalt  }
0x4f: {  	_ =	shalt  }
0x50: {  	_ =	shalt  }
0x51: {  	_ =	shalt  }
0x52: {  	_ =	shalt  }
0x53: {  	_ =	shalt  }
0x54: {  	_ =	shalt  }
0x55: {  	_ =	shalt  }
0x56: {  	_ =	shalt  }
0x57: {  	_ =	shalt  }
0x58: {  	_ =	shalt  }
0x59: {  	_ =	shalt  }
0x5a: {  	_ =	shalt  }
0x5b: {  	_ =	shalt  }
0x5c: {  	_ =	shalt  }
0x5d: {  	_ =	shalt  }
0x5e: {  	_ =	shalt  }
0x5f: {  	_ =	shalt  }
0x60: {  	_ =	shalt  }
0x61: {  	_ =	shalt  }
0x62: {  	_ =	shalt  }
0x63: {  	_ =	shalt  }
0x64: {  	_ =	shalt  }
0x65: {  	_ =	shalt  }
0x66: {  	_ =	shalt  }
0x67: {  	_ =	shalt  }
0x68: {  	_ =	shalt  }
0x69: {  	_ =	shalt  }
0x6a: {  	_ =	shalt  }
0x6b: {  	_ =	shalt  }
0x6c: {  	_ =	shalt  }
0x6d: {  	_ =	shalt  }
0x6e: {  	_ =	shalt  }
0x6f: {  	_ =	shalt  }
0x70: {  	_ =	shalt  }
0x71: {  	_ =	shalt  }
0x72: {  	_ =	shalt  }
0x73: {  	_ =	shalt  }
0x74: {  	_ =	shalt  }
0x75: {  	_ =	shalt  }
0x76: {  	_ =	shalt  }
0x77: {  	_ =	shalt  }
0x78: {  	_ =	shalt  }
0x79: {  	_ =	shalt  }
0x7a: {  	_ =	shalt  }
0x7b: {  	_ =	shalt  }
0x7c: {  	_ =	shalt  }
0x7d: {  	_ =	shalt  }
0x7e: {  	_ =	shalt  }
0x7f: {  	_ =	shalt  }
0x80: {  	_ =	shalt  }
0x81: {  	_ =	shalt  }
0x82: {  	_ =	shalt  }
0x83: {  	_ =	shalt  }
0x84: {  	_ =	shalt  }
0x85: {  	_ =	shalt  }
0x86: {  	_ =	shalt  }
0x87: {  	_ =	shalt  }
.Lfunc_end0:
.L_simem_size_0:
called_computation.1_lowered:
.L_overlay_start_0:
0x88: {  	s2 =	sld [smem:$0x3FD9]  }
0x89: {  	s3 =	sld [smem:$0x3FFE];
	_ =	sdelay $0x1  }
0x8a: {  	s1 =	srdreg.scid  }
0x8b: {  	s0 =	sand.u32 $0x1, s1  }
0x8c: {  	s17 =	sshll.u32 s0, $0xA;
	s2 =	sadd.s32 s3, s2  }
0x8d: {  	s2 =	sadd.s32 s2, s17  }
0x8e: {  	[smem:$0x3FBC] =	sst s2  }
0x8f: {  	_ = 	snop  }
0x90: {  	s2 =	sld [smem:$0x3FD0];
	(tm) =	ssettm $0x1  }
0x91: {  	s18 =	sld [smem:$0x3FFB];
	_ =	sdelay $0x3  }
0x92: {  	_ =	strace s18  }
0x93: {  	s3 =	sld [smem:$0x3FFC];
	_ =	sdelay $0x3  }
0x94: {  	_ =	strace s3  }
0x95: {  	s3 =	sld [smem:$0x3FFD];
	_ =	sdelay $0x3  }
0x96: {  	_ =	strace s3  }
0x97: {  	_ =	strace $0x8FFFFFFF  }
0x98: {  	s19 =	sld [smem:$0x3FDB];
	_ =	sdelay $0x1  }
0x99: {  	s4 =	simm.s32 $_scs_section_size  }
0x9a: {  	s5 =	simm.s32 $_size__tile_overlayer_lowered;
	s6 =	simm.s32 $_tile_overlayer_lowered  }
0x9b: {  	s22 =	simm.s32 $0x1BFF;
	s21 =	sshll.u32 s6, $0x1;
	s3 =	sadd.s32 s4, s19  }
0x9c: {  	s7 =	simm.s32 $0x0;
	s20 =	sshll.u32 s5, $0x1;
	s5 =	sadd.s32 s21, s3  }
0x9d: {  	[timem:s7], [sflag:s22] =	dma.local [hbm:s5], s20  }
0x9e: {  	_ =	swait.ge [sflag:s22], s20  }
0x9f: {  	s4 =	ssub.s32 $0x0, s20;
	[sflag:s22] =	ssyncset.done $0x0  }
0xa0: {  	[sflag:s22] =	ssyncadd.s32 s4;
	_ =	sdelay $0x1  }
0xa1: {  	s23 =	simm.s32 $0x1B8B  }
0xa2: {  	_ =	swait.ge [sflag:s23], $0x1  }
0xa3: {  	[sflag:s23] =	ssyncset.done $0x0  }
0xa4: {  	s25 =	simm.s32 $0x1B8E;
	s24 =	sld [smem:$0x3FFE];
	[sflag:s23] =	ssyncadd.s32 $0xFFFFFFFF  }
0xa5: {  	s26 =	simm.s32 $execute0_lowered;
	[smem:$0x3FD2] =	sst s25  }
0xa6: {  	s5 =	sshll.u32 s26, $0x1;
	_ =	strace $0x80000049;
	[dreg:$0x1] =	wrdreg $0xFFFFFFFF  }
0xa7: {  	s28 =	simm.s32 $_size_execute0_lowered;
	s3 =	sadd.s32 s3, s5;
	[dreg:$0x0] =	wrdreg $0x0  }
0xa8: {  	s5 =	sshll.u32 s28, $0x1;
	[dreg:$0x2] =	wrdreg s3  }
0xa9: {  	[dreg:$0x3] =	wrdreg s5  }
0xaa: {  	[dreg:$0x4] =	wrdreg $0xC0  }
0xab: {  	_ =	task [dreg:s7], $0x5FFFF  }
0xac: {  	[dreg:$0x1] =	wrdreg $0xFFFFFFFF  }
0xad: {  	[dreg:$0x0] =	wrdreg $0x60  }
0xae: {  	[dreg:$0x2] =	wrdreg s24  }
0xaf: {  	[dreg:$0x3] =	wrdreg s2  }
0xb0: {  	[dreg:$0x4] =	wrdreg $0x60000  }
0xb1: {  	[dreg:$0x5] =	wrdreg $0x9  }
0xb2: {  	_ =	task.clear_ibuf [dreg:s7], $0x6FFFF;
	_ =	strace $0x90000049  }
0xb3: {  	s29 =	simm.s32 $0x9;
	_ =	strace $0x8000004B  }
0xb4: {  	_ =	swait.ge [sflag:s29], $0x1  }
0xb5: {  	[sflag:s29] =	ssyncadd.s32 $0xFFFFFFFF  }
0xb6: {  	_ =	strace $0x9000004B  }
0xb7: {  	_ =	sfence  }
0xb8: {  	s30 =	sld [smem:$0x0];
	_ =	sdelay $0x2  }
0xb9: {  	s31 =	sshll.u32 s1, $0xD;
	s1 =	sshrl.u32 s1, $0x2  }
0xba: {  	s3 =	sand.u32 $0x4000, s31;
	s1 =	sadd.s32 s1, s30  }
0xbb: {  	s0 =	sor.u32 s3, s0;
	s1 =	sshll.u32 s1, $0x11  }
0xbc: {  	s0 =	sor.u32 s1, s0  }
0xbd: {  	s0 =	sadd.s32 $0x8F2B, s0  }
0xbe: {  	[sflag:s0] =	ssyncadd.remote.s32 $0x1  }
0xbf: {  	_ =	sfence.sel $0xFFFF  }
0xc0: {  	[dreg:$0x0] =	wrdreg $0xFFFFFFFF;
	(pc) =	sbr.abs _section_cstart, $3  }
0xc1: {  	[dreg:$0x1] =	wrdreg $0xFFFFFFFF  }
0xc2: {  	_ =	task.clear_ibuf [dreg:s7], $0x2FFFF;
	_ =	strace $0x9FFFFFFF  }
0xc3: {  	(tm) =	ssettm $0x7FFFFFFF  }
tec
execute0_lowered:
.L_overlay_start_1:
0x0: {  	(tag) =	ssettag $0x1  }
0x1: {  	s5 =	rddreg [dreg:$0x0]  }
0x2: {  	s7 =	rddreg [dreg:$0x1]  }
0x3: {  	s1 =	rddreg [dreg:$0x2];
	s2 =	srdreg.scid  }
0x4: {  	s0 =	rddreg [dreg:$0x3];
	s3 =	simm.s32 $0x0;
	s14 =	simm.s32 $0x80  }
0x5: {  	s15 =	simm.s32 $0x5000;
	s16 =	simm.s32 $0x5800;
	s17 =	simm.s32 $0x1  }
0x6: {  	s18 =	simm.s32 $0x2;
	s19 =	simm.s32 $0x4F00;
	s20 =	simm.s32 $0x4F80  }
0x7: {  	s21 =	simm.s32 $0x10;
	s6 =	sand.u32 $0x1, s2;
	s2 =	stileid.u32  }
0x8: {  	s22 =	simm.s32 $0x0;
	[smem:$0x7FF] =	sst s3;
	s8 =	smul.u32 $0x500, s6  }
0x9: {  	s4 =	sadd.s32 $0x3A00, s5;
	s9 =	smul.u32 $0x50, s2;
	_ =	strace $0x8000004A  }
0xa: {  	s10 =	smul.u32 $0x13C00, s2;
	s29 =	sshll.u32 s6, $0x4;
	s6 =	ssub.s32 $0x2, s6  }
0xb: {  	s11 =	smul.u32 $0x2780, s2;
	s12 =	sshll.u32 s2, $0x6;
	s30 =	sshrl.u32 s6, $0x1  }
0xc: {  	s12 =	sor.u32 $0x1C03, s12;
	s8 =	sadd.s32 s9, s8;
	s9 =	sor.u32 s29, s10  }
0xd: {  	s10 =	ssub.s32 s6, s30;
	s31 =	sshrl.u32 s11, $0x3;
	s13 =	sadd.s32 s11, s1  }
0xe: {  	s11 =	simm.s32 $0x2800;
	s8 =	sshll.u32 s8, $0x4;
	s9 =	sshrl.u32 s9, $0x3  }
0xf: {  	s7 =	sadd.s32 s7, s31;
	s13 =	sshrl.u32 s13, $0x3;
	s8 =	sadd.s32 s8, s5  }
0x10: {  	s9 =	sadd.s32 s9, s5;
	s5 =	sadd.s32 $0x3EC00, s8;
	s6 =	sadd.s32 $0xA1200, s8  }
0x11: {  	s8 =	sadd.s32 $0x48C00, s9;
	s9 =	smax.u32 s10, $0x1;
	s10 =	simm.s32 $0x3  }
.LBB2_1:
0x12: {  	[tilespmem:s3], [sflag:$0x3] =	stream.linear.gather [hbm4b:s5+s3], $0x2800, $0x38;
	[tilespmem:$0x8780] =	vst v63  }
0x13: {  	_ =	swait.ge [sflag:s10], $0x2800  }
0x14: {  	[sflag:s10] =	ssyncset.done $0x0  }
0x15: {  	[sflag:s10] =	ssyncadd.s32 $0xFFFFD800  }
0x16: {  	[tilespmem:s11], [sflag:$0x3] =	stream.linear.gather [hbm4b:s6+s3], $0x2800, $0x38;
	[tilespmem:$0x8780] =	vst v63  }
0x17: {  	_ =	swait.ge [sflag:s10], $0x2800  }
0x18: {  	[sflag:s10] =	ssyncset.done $0x0  }
0x19: {  	[sflag:s10] =	ssyncadd.s32 $0xFFFFD800  }
0x1a: {  	[spmem:s13], [sflag:s12] =	dma.local [hbm:s7], $0x4F0  }
0x1b: {  	_ =	swait.ge [sflag:s10], $0x4F0  }
0x1c: {  	[sflag:s10] =	ssyncset.done $0x0  }
0x1d: {  	[sflag:s10] =	ssyncadd.s32 $0xFFFFFB10  }
0x1e: {  	[bflag:$0x0] =	sbarrier.arrive $0xFFFF  }
0x1f: {  	[tilespmem:s15], [sflag:$0x1] =	stream.indirect.gather [hbm4b:s4+s14], $0x10, s3, s14, $0xb8;
	[tilespmem:$0x8780] =	vst v63  }
0x20: {  	_ = 	snop  }
0x21: {  	[tilespmem:s16], [sflag:$0x2] =	stream.indirect.gather [hbm4b:s4+s14], $0x10, s14, s14, $0xb8;
	[tilespmem:$0x8780] =	vst v63  }
0x22: {  	_ =	swait.ge [sflag:s17], $0x800  }
0x23: {  	[sflag:s17] =	ssyncset.done $0x0  }
0x24: {  	s23 =	simm.s32 $0x2800;
	[sflag:s17] =	ssyncadd.s32 $0xFFFFF800  }
0x25: {  	[spmem:s1] =	stream.indirect.scatter.add.f32 [tilespmem:s15], [sflag:$0x3], $0x10, s23, s14, $0xb8;
	[tilespmem:$0x8780] =	vst v63  }
0x26: {  	_ =	swait.ge [sflag:s10], $0x800  }
0x27: {  	[sflag:s10] =	ssyncset.done $0x0  }
0x28: {  	s30 =	simm.s32 $0x100;
	[sflag:s10] =	ssyncadd.s32 $0xFFFFF800  }
0x29: {  	[tilespmem:s15], [sflag:$0x1] =	stream.indirect.gather [hbm4b:s4+s14], $0x10, s30, s14, $0xb8;
	[tilespmem:$0x8780] =	vst v63  }
0x2a: {  	_ =	swait.ge [sflag:s18], $0x800  }
0x2b: {  	[sflag:s18] =	ssyncset.done $0x0  }
0x2c: {  	s31 =	simm.s32 $0x2880;
	[sflag:s18] =	ssyncadd.s32 $0xFFFFF800  }
0x2d: {  	[spmem:s1] =	stream.indirect.scatter.add.f32 [tilespmem:s16], [sflag:$0x3], $0x10, s31, s14, $0xb8;
	[tilespmem:$0x8780] =	vst v63  }
0x2e: {  	_ =	swait.ge [sflag:s10], $0x800  }
0x2f: {  	[sflag:s10] =	ssyncset.done $0x0  }
0x30: {  	s24 =	simm.s32 $0x180;
	s23 =	simm.s32 $0x400;
	[sflag:s10] =	ssyncadd.s32 $0xFFFFF800  }
.LBB2_2:
0x31: {  	[tilespmem:s16], [sflag:$0x2] =	stream.indirect.gather [hbm4b:s4+s14], $0x10, s24, s14, $0xb8;
	[tilespmem:$0x8780] =	vst v63  }
0x32: {  	s24 =	smov.u32 s23  }
0x33: {  	p0 =	sne.s32 s23, $0x9800;
	s23 =	sadd.s32 $0x400, s23;
	_ =	swait.ge [sflag:s17], $0x800  }
0x34: {  	s24 =	sshra.s32 s24, $0x2;
	[sflag:s17] =	ssyncset.done $0x0  }
0x35: {  	s25 =	sadd.s32 $0x2800, s24;
	[sflag:s17] =	ssyncadd.s32 $0xFFFFF800  }
0x36: {  	[spmem:s1] =	stream.indirect.scatter.add.f32 [tilespmem:s15], [sflag:$0x3], $0x10, s25, s14, $0xb8;
	[tilespmem:$0x8780] =	vst v63  }
0x37: {  	_ =	swait.ge [sflag:s10], $0x800  }
0x38: {  	[sflag:s10] =	ssyncset.done $0x0  }
0x39: {  	s25 =	sadd.s32 $0x100, s24;
	[sflag:s10] =	ssyncadd.s32 $0xFFFFF800  }
0x3a: {  	[tilespmem:s15], [sflag:$0x1] =	stream.indirect.gather [hbm4b:s4+s14], $0x10, s25, s14, $0xb8;
	[tilespmem:$0x8780] =	vst v63  }
0x3b: {  	_ =	swait.ge [sflag:s18], $0x800  }
0x3c: {  	[sflag:s18] =	ssyncset.done $0x0  }
.Ltmp0:
0x3d: {  	s25 =	sadd.s32 $0x2880, s24;
	[sflag:s18] =	ssyncadd.s32 $0xFFFFF800;
	(pc) =	sbr.rel @p0 .LBB2_2-.Ltmp0, $4  }
0x3e: {  	[spmem:s1] =	stream.indirect.scatter.add.f32 [tilespmem:s16], [sflag:$0x3], $0x10, s25, s14, $0xb8;
	[tilespmem:$0x8780] =	vst v63  }
0x3f: {  	_ =	swait.ge [sflag:s10], $0x800  }
0x40: {  	[sflag:s10] =	ssyncset.done $0x0  }
0x41: {  	s24 =	sadd.s32 $0x180, s24;
	[sflag:s10] =	ssyncadd.s32 $0xFFFFF800  }
0x42: {  	[tilespmem:s16], [sflag:$0x2] =	stream.indirect.gather [hbm4b:s4+s14], $0x10, s24, s14, $0xb8;
	[tilespmem:$0x8780] =	vst v63  }
0x43: {  	_ =	swait.ge [sflag:s17], $0x800  }
0x44: {  	[sflag:s17] =	ssyncset.done $0x0  }
0x45: {  	[sflag:s17] =	ssyncadd.s32 $0xFFFFF800  }
0x46: {  	[spmem:s1] =	stream.indirect.scatter.add.f32 [tilespmem:s15], [sflag:$0x3], $0x10, s19, s14, $0xb8;
	[tilespmem:$0x8780] =	vst v63  }
0x47: {  	_ =	swait.ge [sflag:s10], $0x800  }
0x48: {  	[sflag:s10] =	ssyncset.done $0x0  }
0x49: {  	[sflag:s10] =	ssyncadd.s32 $0xFFFFF800  }
0x4a: {  	_ =	swait.ge [sflag:s18], $0x800  }
0x4b: {  	[sflag:s18] =	ssyncset.done $0x0  }
0x4c: {  	[sflag:s18] =	ssyncadd.s32 $0xFFFFF800  }
0x4d: {  	[spmem:s1] =	stream.indirect.scatter.add.f32 [tilespmem:s16], [sflag:$0x3], $0x10, s20, s14, $0xb8;
	[tilespmem:$0x8780] =	vst v63  }
0x4e: {  	_ =	swait.ge [sflag:s10], $0x800  }
0x4f: {  	s22 =	sadd.s32 $0x1, s22;
	[sflag:s10] =	ssyncset.done $0x0  }
0x50: {  	p0 =	sne.s32 s22, s9;
	[sflag:s10] =	ssyncadd.s32 $0xFFFFF800  }
.Ltmp1:
0x51: {  	[bflag:$0x0] =	sbarrier.arrive $0xFFFF;
	(pc) =	sbr.rel @p0 .LBB2_1-.Ltmp1, $4  }
0x52: {  	[hbm:s8@s21], [sflag:s12] =	dma.strided [spmem:s13@s18], $0x4F0, s17, $0x2   }
0x53: {  	_ =	swait.ge [sflag:s10], $0x4F0  }
0x54: {  	[sflag:s10] =	ssyncset.done $0x0  }
0x55: {  	[sflag:s10] =	ssyncadd.s32 $0xFFFFFB10  }
0x56: {  	_ =	sfence.sel $0x180000  }
0x57: {  	[bflag:$0x0] =	sbarrier.arrive $0xFFFF  }
0x58: {  	p0 =	sne.s32 s2, $0x0;
	_ =	strace $0x9000004A  }
0x59: {  	s0 =	sadd.s32 @!p0 $0x100000, s0;
	[bflag:$0x2] =	sbarrier.arrive $0xFFFF  }
0x5a: {  	[sflag:s0] =	ssyncadd.tile.s32 @!p0 $0x1;
	_ =	shalt  }
.Lfunc_end2:
_tile_overlayer_lowered:
.L_overlay_start_2:
0x5b: {  	(tag) =	ssettag $0x2  }
0x5c: {  	s0 =	rddreg [dreg:$0x0];
	s2 =	stileid.u32  }
0x5d: {  	s1 =	rddreg [dreg:$0x1];
	p0 =	sne.s32 s2, $0x0  }
0x5e: {  	s3 =	rddreg [dreg:$0x2];
	[bflag:$0x3] =	sbarrier.arrive $0xFFFF;
	s2 =	simm.s32 @!p0 $0x1C03  }
0x5f: {  	[timem:s3], [sflag:s2] =	dma.local @!p0 [hbm:s0], s1  }
0x60: {  	s0 =	simm.s32 @!p0 $0x3  }
0x61: {  	_ =	swait.ge @!p0 [sflag:s0], s1  }
0x62: {  	s1 =	ssub.s32 @!p0 $0x0, s1;
	[sflag:s0] =	ssyncset.done @!p0 $0x0  }
0x63: {  	[sflag:s0] =	ssyncadd.s32 @!p0 s1  }
0x64: {  	[bflag:$0x3] =	sbarrier.arrive $0xFFFF  }
0x65: {  	_ =	shalt  }

// kernel: kernel.7.cloned.1.call-start
scs
__scs_entry_jumppad:
0x0: {  	(pc) =	sbr.rel $0x88, $3  }
0x1: {  	(tag) =	ssettag $0x0;
	lr =	simm.s32 $0x1  }
0x2: {  	[smem:$0x3F95] =	sst lr;
	_ =	strace $0xD0000000  }
0x3: {  	_ = 	snop  }
0x4: {  	_ = 	snop  }
0x5: {  	_ = 	snop  }
0x6: {  	_ = 	snop  }
0x7: {  	_ = 	snop  }
__scs_overlays_trampoline_lowered:
0x8: {  	[smem:$0x3FA4] =	sst s0  }
0x9: {  	[smem:$0x3FA5] =	sst s1  }
0xa: {  	[smem:$0x3FA6] =	sst s2  }
0xb: {  	[smem:$0x3FA7] =	sst s3  }
0xc: {  	[smem:$0x3FA8] =	sst s4  }
0xd: {  	[smem:$0x3FA9] =	sst s5  }
0xe: {  	[smem:$0x3FAA] =	sst s6  }
0xf: {  	[smem:$0x3FAB] =	sst s7  }
0x10: {  	[smem:$0x3FAC] =	sst s8  }
0x11: {  	[smem:$0x3FAD] =	sst s9;
	s0 =	simm.s32 @!p0 $0x0  }
0x12: {  	s1 =	sld [smem:$0x3F93];
	s0 =	simm.s32 @p0 $0x1  }
0x13: {  	[smem:$0x3FAE] =	sst s0;
	s0 =	simm.s32 @!p1 $0x0  }
0x14: {  	s2 =	sld [smem:$0x3F92];
	s0 =	simm.s32 @p1 $0x1  }
0x15: {  	[smem:$0x3FAF] =	sst s0;
	s0 =	simm.s32 @!p2 $0x0  }
0x16: {  	s3 =	sld [smem:$0x3FDB];
	s0 =	simm.s32 @p2 $0x1  }
0x17: {  	s4 =	simm.s32 $0x1BF5;
	[smem:$0x3FB1] =	sst s0  }
0x18: {  	s0 =	sld [smem:$0x3F94];
	_ =	swait.ge [sflag:s4], $0x0  }
0x19: {  	s7 =	sld [smem:$0x3F95]  }
0x1a: {  	s8 =	sadd.s32 $0xFFFFE003, lr  }
0x1b: {  	s9 =	sadd.s32 $0xFFFFFEF7, lr;
	s5 =	simm.s32 $0xFFFFFFFF;
	p2 =	slt.u32 s8, $0xFFFFF086  }
0x1c: {  	p1 =	slt.u32 s9, $0xF7A;
	s5 =	simm.s32 @!p2 $0x0  }
0x1d: {  	s5 =	simm.s32 @p1 $0x1;
	p0 =	seq.s32 s7, s2  }
0x1e: {  	s7 =	smul.u32 @!p0 $0xF7A, s2;
	p2 =	seq.s32 @!p0 s5, $0x0  }
0x1f: {  	s9 =	smul.u32 $0xF7A, s1;
	s8 =	simm.s32 @!p0 $0x1BF5;
	p2 =	por !p2, p0  }
0x20: {  	[sflag:s8] =	ssyncset.s32 @!p0 $0xFFFFF086;
	s6 =	sadd.s32 @!p0 s3, s7;
	s7 =	simm.s32 @!p0 $0x108  }
0x21: {  	s3 =	sadd.s32 s3, s9;
	s6 =	sadd.s32 @!p0 $0x88, s6;
	s7 =	simm.s32 @p2 $0x1082  }
0x22: {  	[simem:s7], [sflag:s8] =	dma.local @!p0 [hbm:s6], $0xF7A  }
0x23: {  	s9 =	sor.u32 $0xD0000000, s2;
	s6 =	simm.s32 $0x108;
	_ =	swait.ge @!p0 [sflag:s8], $0x0  }
0x24: {  	s3 =	sadd.s32 $0x88, s3;
	s6 =	simm.s32 @!p1 $0x1082;
	[sflag:s4] =	ssyncset.s32 $0xFFFFF086  }
0x25: {  	[simem:s6], [sflag:s4] =	dma.local [hbm:s3], $0xF7A  }
0x26: {  	[smem:$0x3F95] =	sst s1;
	(tag) =	ssettag s2;
	_ =	strace s9  }
0x27: {  	s1 =	sld [smem:$0x3FA5]  }
0x28: {  	s2 =	sld [smem:$0x3FA6]  }
0x29: {  	s4 =	sld [smem:$0x3FA8]  }
0x2a: {  	p0 =	seq.s32 s5, $0x0;
	s5 =	sld [smem:$0x3FA9]  }
0x2b: {  	s6 =	sld [smem:$0x3FAA]  }
0x2c: {  	s7 =	sld [smem:$0x3FAB]  }
0x2d: {  	s3 =	simm.s32 $0x108;
	s8 =	sld [smem:$0x3FAC]  }
0x2e: {  	s3 =	simm.s32 @!p0 $0x1082;
	s9 =	sld [smem:$0x3FAD]  }
0x2f: {  	lr =	sadd.s32 s0, s3;
	s0 =	sld [smem:$0x3FA4]  }
0x30: {  	s3 =	sld [smem:$0x3FA7]  }
0x31: {  	[smem:$0x3FB0] =	sst s10  }
0x32: {  	s10 =	sld [smem:$0x3FAE];
	_ =	sdelay $0x3  }
0x33: {  	p0 =	seq.s32 s10, $0x1;
	s10 =	sld [smem:$0x3FB0];
	_ =	sdelay $0x3  }
0x34: {  	[smem:$0x3FB0] =	sst s10  }
0x35: {  	s10 =	sld [smem:$0x3FAF];
	_ =	sdelay $0x3  }
0x36: {  	p1 =	seq.s32 s10, $0x1;
	s10 =	sld [smem:$0x3FB0];
	_ =	sdelay $0x3  }
0x37: {  	[smem:$0x3FB0] =	sst s10  }
0x38: {  	s10 =	sld [smem:$0x3FB1]  }
0x39: {  	_ = 	snop;
	(pc) =	sbr.ind lr, $3  }
0x3a: {  	_ = 	snop  }
0x3b: {  	_ = 	snop  }
0x3c: {  	p2 =	seq.s32 s10, $0x1;
	s10 =	sld [smem:$0x3FB0]  }
0x3d: {  	_ =	shalt  }
0x3e: {  	_ =	shalt  }
0x3f: {  	_ =	shalt  }
0x40: {  	_ =	shalt  }
0x41: {  	_ =	shalt  }
0x42: {  	_ =	shalt  }
0x43: {  	_ =	shalt  }
0x44: {  	_ =	shalt  }
0x45: {  	_ =	shalt  }
0x46: {  	_ =	shalt  }
0x47: {  	_ =	shalt  }
0x48: {  	_ =	shalt  }
0x49: {  	_ =	shalt  }
0x4a: {  	_ =	shalt  }
0x4b: {  	_ =	shalt  }
0x4c: {  	_ =	shalt  }
0x4d: {  	_ =	shalt  }
0x4e: {  	_ =	shalt  }
0x4f: {  	_ =	shalt  }
0x50: {  	_ =	shalt  }
0x51: {  	_ =	shalt  }
0x52: {  	_ =	shalt  }
0x53: {  	_ =	shalt  }
0x54: {  	_ =	shalt  }
0x55: {  	_ =	shalt  }
0x56: {  	_ =	shalt  }
0x57: {  	_ =	shalt  }
0x58: {  	_ =	shalt  }
0x59: {  	_ =	shalt  }
0x5a: {  	_ =	shalt  }
0x5b: {  	_ =	shalt  }
0x5c: {  	_ =	shalt  }
0x5d: {  	_ =	shalt  }
0x5e: {  	_ =	shalt  }
0x5f: {  	_ =	shalt  }
0x60: {  	_ =	shalt  }
0x61: {  	_ =	shalt  }
0x62: {  	_ =	shalt  }
0x63: {  	_ =	shalt  }
0x64: {  	_ =	shalt  }
0x65: {  	_ =	shalt  }
0x66: {  	_ =	shalt  }
0x67: {  	_ =	shalt  }
0x68: {  	_ =	shalt  }
0x69: {  	_ =	shalt  }
0x6a: {  	_ =	shalt  }
0x6b: {  	_ =	shalt  }
0x6c: {  	_ =	shalt  }
0x6d: {  	_ =	shalt  }
0x6e: {  	_ =	shalt  }
0x6f: {  	_ =	shalt  }
0x70: {  	_ =	shalt  }
0x71: {  	_ =	shalt  }
0x72: {  	_ =	shalt  }
0x73: {  	_ =	shalt  }
0x74: {  	_ =	shalt  }
0x75: {  	_ =	shalt  }
0x76: {  	_ =	shalt  }
0x77: {  	_ =	shalt  }
0x78: {  	_ =	shalt  }
0x79: {  	_ =	shalt  }
0x7a: {  	_ =	shalt  }
0x7b: {  	_ =	shalt  }
0x7c: {  	_ =	shalt  }
0x7d: {  	_ =	shalt  }
0x7e: {  	_ =	shalt  }
0x7f: {  	_ =	shalt  }
0x80: {  	_ =	shalt  }
0x81: {  	_ =	shalt  }
0x82: {  	_ =	shalt  }
0x83: {  	_ =	shalt  }
0x84: {  	_ =	shalt  }
0x85: {  	_ =	shalt  }
0x86: {  	_ =	shalt  }
0x87: {  	_ =	shalt  }
.Lfunc_end0:
.L_simem_size_0:
called_computation_lowered:
.L_overlay_start_0:
0x88: {  	s2 =	sld [smem:$0x3FD9]  }
0x89: {  	s3 =	sld [smem:$0x3FFE];
	_ =	sdelay $0x1  }
0x8a: {  	s1 =	srdreg.scid  }
0x8b: {  	s0 =	sand.u32 $0x1, s1  }
0x8c: {  	s16 =	sshll.u32 s0, $0xA;
	s2 =	sadd.s32 s3, s2  }
0x8d: {  	s2 =	sadd.s32 s2, s16  }
0x8e: {  	[smem:$0x3FBC] =	sst s2  }
0x8f: {  	_ = 	snop  }
0x90: {  	(tm) =	ssettm $0x1  }
0x91: {  	s17 =	sld [smem:$0x3FFB];
	_ =	sdelay $0x3  }
0x92: {  	_ =	strace s17  }
0x93: {  	s2 =	sld [smem:$0x3FFC];
	_ =	sdelay $0x3  }
0x94: {  	_ =	strace s2  }
0x95: {  	s2 =	sld [smem:$0x3FFD];
	_ =	sdelay $0x3  }
0x96: {  	_ =	strace s2  }
0x97: {  	_ =	strace $0x8FFFFFFF  }
0x98: {  	s18 =	sld [smem:$0x3FDB];
	_ =	sdelay $0x1  }
0x99: {  	s19 =	simm.s32 $_scs_section_size  }
0x9a: {  	s4 =	simm.s32 $_size__tile_overlayer_lowered;
	s5 =	simm.s32 $_tile_overlayer_lowered  }
0x9b: {  	s22 =	simm.s32 $0x1BFF;
	s21 =	sshll.u32 s5, $0x1;
	s2 =	sadd.s32 s19, s18  }
0x9c: {  	s6 =	simm.s32 $0x0;
	s20 =	sshll.u32 s4, $0x1;
	s4 =	sadd.s32 s21, s2  }
0x9d: {  	[timem:s6], [sflag:s22] =	dma.local [hbm:s4], s20  }
0x9e: {  	_ =	swait.ge [sflag:s22], s20  }
0x9f: {  	s3 =	ssub.s32 $0x0, s20;
	[sflag:s22] =	ssyncset.done $0x0  }
0xa0: {  	[sflag:s22] =	ssyncadd.s32 s3;
	_ =	sdelay $0x1  }
0xa1: {  	s23 =	simm.s32 $0x1B8B  }
0xa2: {  	_ =	swait.ge [sflag:s23], $0x1  }
0xa3: {  	[sflag:s23] =	ssyncset.done $0x0  }
0xa4: {  	s25 =	simm.s32 $0x1B8E;
	s24 =	sld [smem:$0x3FFE];
	[sflag:s23] =	ssyncadd.s32 $0xFFFFFFFF  }
0xa5: {  	s26 =	simm.s32 $execute0_lowered;
	[smem:$0x3FD2] =	sst s25  }
0xa6: {  	s4 =	sshll.u32 s26, $0x1;
	_ =	strace $0x80000046;
	[dreg:$0x1] =	wrdreg $0xFFFFFFFF  }
0xa7: {  	s28 =	simm.s32 $_size_execute0_lowered;
	s2 =	sadd.s32 s2, s4;
	[dreg:$0x0] =	wrdreg $0x0  }
0xa8: {  	s4 =	sshll.u32 s28, $0x1;
	[dreg:$0x2] =	wrdreg s2  }
0xa9: {  	[dreg:$0x3] =	wrdreg s4  }
0xaa: {  	[dreg:$0x4] =	wrdreg $0xC0  }
0xab: {  	_ =	task [dreg:s6], $0x5FFFF  }
0xac: {  	[dreg:$0x1] =	wrdreg $0xFFFFFFFF  }
0xad: {  	[dreg:$0x0] =	wrdreg $0x60  }
0xae: {  	[dreg:$0x2] =	wrdreg s24  }
0xaf: {  	[dreg:$0x3] =	wrdreg $0x60000  }
0xb0: {  	[dreg:$0x4] =	wrdreg $0x9  }
0xb1: {  	_ =	task.clear_ibuf [dreg:s6], $0x5FFFF;
	_ =	strace $0x90000046  }
0xb2: {  	s29 =	simm.s32 $0x9;
	_ =	strace $0x80000048  }
0xb3: {  	_ =	swait.ge [sflag:s29], $0x1  }
0xb4: {  	[sflag:s29] =	ssyncadd.s32 $0xFFFFFFFF  }
0xb5: {  	_ =	strace $0x90000048  }
0xb6: {  	_ =	sfence  }
0xb7: {  	s30 =	sld [smem:$0x0];
	_ =	sdelay $0x2  }
0xb8: {  	s31 =	sshll.u32 s1, $0xD;
	s1 =	sshrl.u32 s1, $0x2  }
0xb9: {  	s3 =	sand.u32 $0x4000, s31;
	s1 =	sadd.s32 s1, s30  }
0xba: {  	s0 =	sor.u32 s3, s0;
	s1 =	sshll.u32 s1, $0x11  }
0xbb: {  	s0 =	sor.u32 s1, s0  }
0xbc: {  	s0 =	sadd.s32 $0x8F2B, s0  }
0xbd: {  	[sflag:s0] =	ssyncadd.remote.s32 $0x1  }
0xbe: {  	_ =	sfence.sel $0xFFFF  }
0xbf: {  	[dreg:$0x0] =	wrdreg $0xFFFFFFFF;
	(pc) =	sbr.abs _section_cstart, $3  }
0xc0: {  	[dreg:$0x1] =	wrdreg $0xFFFFFFFF  }
0xc1: {  	_ =	task.clear_ibuf [dreg:s6], $0x2FFFF;
	_ =	strace $0x9FFFFFFF  }
0xc2: {  	(tm) =	ssettm $0x7FFFFFFF  }
0xc3: {  	_ =	shalt  }
tec
execute0_lowered:
.L_overlay_start_1:
0x0: {  	(tag) =	ssettag $0x1  }
0x1: {  	s5 =	rddreg [dreg:$0x0];
	s0 =	srdreg.scid  }
0x2: {  	s2 =	rddreg [dreg:$0x1];
	s1 =	stileid.u32  }
0x3: {  	s3 =	simm.s32 $0x0;
	s14 =	simm.s32 $0x80;
	s15 =	simm.s32 $0x5000  }
0x4: {  	s16 =	simm.s32 $0x5800;
	s17 =	simm.s32 $0x1;
	s18 =	simm.s32 $0x2  }
0x5: {  	s19 =	simm.s32 $0x4F00;
	s20 =	simm.s32 $0x4F80;
	s7 =	smul.u32 $0x50, s1  }
0x6: {  	s21 =	simm.s32 $0x10;
	s22 =	simm.s32 $0x0;
	s28 =	smul.u32 $0x27400, s1  }
0x7: {  	s6 =	sand.u32 $0x1, s0;
	s0 =	rddreg [dreg:$0x2];
	s9 =	smul.u32 $0x4E80, s1  }
0x8: {  	[smem:$0x7FF] =	sst s3;
	s31 =	sshll.u32 s1, $0x6;
	s4 =	smul.u32 $0x500, s6  }
0x9: {  	_ =	strace $0x80000047;
	s10 =	sshll.u32 s6, $0x4;
	s6 =	ssub.s32 $0x2, s6  }
0xa: {  	s29 =	sshrl.u32 s9, $0x3;
	s30 =	sshrl.u32 s6, $0x1;
	s13 =	sadd.s32 s9, s2  }
0xb: {  	s4 =	sadd.s32 s7, s4;
	s7 =	sor.u32 s10, s28;
	s10 =	sadd.s32 s29, s5  }
0xc: {  	s12 =	ssub.s32 s6, s30;
	s13 =	sshrl.u32 s13, $0x3;
	s8 =	sshll.u32 s4, $0x4  }
0xd: {  	s4 =	sadd.s32 $0x3A00, s5;
	s7 =	sshrl.u32 s7, $0x3;
	s9 =	smax.u32 s12, $0x1  }
0xe: {  	s12 =	sor.u32 $0x1C03, s31;
	s8 =	sadd.s32 s8, s5;
	s11 =	sadd.s32 s7, s5  }
0xf: {  	s7 =	sadd.s32 $0x48C00, s10;
	s10 =	simm.s32 $0x3;
	s5 =	sadd.s32 $0x2AC00, s8  }
0x10: {  	s6 =	sadd.s32 $0x34C00, s8;
	s8 =	sadd.s32 $0x52A00, s11;
	s11 =	simm.s32 $0x2800  }
.LBB2_1:
0x11: {  	[tilespmem:s3], [sflag:$0x3] =	stream.linear.gather [hbm4b:s5+s3], $0x2800, $0x38;
	[tilespmem:$0xAE80] =	vst v63  }
0x12: {  	_ =	swait.ge [sflag:s10], $0x2800  }
0x13: {  	[sflag:s10] =	ssyncset.done $0x0  }
0x14: {  	[sflag:s10] =	ssyncadd.s32 $0xFFFFD800  }
0x15: {  	[tilespmem:s11], [sflag:$0x3] =	stream.linear.gather [hbm4b:s6+s3], $0x2800, $0x38;
	[tilespmem:$0xAE80] =	vst v63  }
0x16: {  	_ =	swait.ge [sflag:s10], $0x2800  }
0x17: {  	[sflag:s10] =	ssyncset.done $0x0  }
0x18: {  	[sflag:s10] =	ssyncadd.s32 $0xFFFFD800  }
0x19: {  	[spmem:s13], [sflag:s12] =	dma.local [hbm:s7], $0x9D0  }
0x1a: {  	_ =	swait.ge [sflag:s10], $0x9D0  }
0x1b: {  	[sflag:s10] =	ssyncset.done $0x0  }
0x1c: {  	[sflag:s10] =	ssyncadd.s32 $0xFFFFF630  }
0x1d: {  	[bflag:$0x0] =	sbarrier.arrive $0xFFFF  }
0x1e: {  	[tilespmem:s15], [sflag:$0x1] =	stream.indirect.gather [hbm4b:s4+s14], $0x10, s3, s14, $0xb8;
	[tilespmem:$0xAE80] =	vst v63  }
0x1f: {  	_ = 	snop  }
0x20: {  	[tilespmem:s16], [sflag:$0x2] =	stream.indirect.gather [hbm4b:s4+s14], $0x10, s14, s14, $0xb8;
	[tilespmem:$0xAE80] =	vst v63  }
0x21: {  	_ =	swait.ge [sflag:s17], $0x800  }
0x22: {  	[sflag:s17] =	ssyncset.done $0x0  }
0x23: {  	s23 =	simm.s32 $0x2800;
	[sflag:s17] =	ssyncadd.s32 $0xFFFFF800  }
0x24: {  	[spmem:s2] =	stream.indirect.scatter.add.f32 [tilespmem:s15], [sflag:$0x3], $0x10, s23, s14, $0xb8;
	[tilespmem:$0xAE80] =	vst v63  }
0x25: {  	_ =	swait.ge [sflag:s10], $0x800  }
0x26: {  	[sflag:s10] =	ssyncset.done $0x0  }
0x27: {  	s30 =	simm.s32 $0x100;
	[sflag:s10] =	ssyncadd.s32 $0xFFFFF800  }
0x28: {  	[tilespmem:s15], [sflag:$0x1] =	stream.indirect.gather [hbm4b:s4+s14], $0x10, s30, s14, $0xb8;
	[tilespmem:$0xAE80] =	vst v63  }
0x29: {  	_ =	swait.ge [sflag:s18], $0x800  }
0x2a: {  	[sflag:s18] =	ssyncset.done $0x0  }
0x2b: {  	s31 =	simm.s32 $0x2880;
	[sflag:s18] =	ssyncadd.s32 $0xFFFFF800  }
0x2c: {  	[spmem:s2] =	stream.indirect.scatter.add.f32 [tilespmem:s16], [sflag:$0x3], $0x10, s31, s14, $0xb8;
	[tilespmem:$0xAE80] =	vst v63  }
0x2d: {  	_ =	swait.ge [sflag:s10], $0x800  }
0x2e: {  	[sflag:s10] =	ssyncset.done $0x0  }
0x2f: {  	s24 =	simm.s32 $0x180;
	s23 =	simm.s32 $0x400;
	[sflag:s10] =	ssyncadd.s32 $0xFFFFF800  }
.LBB2_2:
0x30: {  	[tilespmem:s16], [sflag:$0x2] =	stream.indirect.gather [hbm4b:s4+s14], $0x10, s24, s14, $0xb8;
	[tilespmem:$0xAE80] =	vst v63  }
0x31: {  	s24 =	smov.u32 s23  }
0x32: {  	p0 =	sne.s32 s23, $0x9800;
	s23 =	sadd.s32 $0x400, s23;
	_ =	swait.ge [sflag:s17], $0x800  }
0x33: {  	s24 =	sshra.s32 s24, $0x2;
	[sflag:s17] =	ssyncset.done $0x0  }
0x34: {  	s25 =	sadd.s32 $0x2800, s24;
	[sflag:s17] =	ssyncadd.s32 $0xFFFFF800  }
0x35: {  	[spmem:s2] =	stream.indirect.scatter.add.f32 [tilespmem:s15], [sflag:$0x3], $0x10, s25, s14, $0xb8;
	[tilespmem:$0xAE80] =	vst v63  }
0x36: {  	_ =	swait.ge [sflag:s10], $0x800  }
0x37: {  	[sflag:s10] =	ssyncset.done $0x0  }
0x38: {  	s25 =	sadd.s32 $0x100, s24;
	[sflag:s10] =	ssyncadd.s32 $0xFFFFF800  }
0x39: {  	[tilespmem:s15], [sflag:$0x1] =	stream.indirect.gather [hbm4b:s4+s14], $0x10, s25, s14, $0xb8;
	[tilespmem:$0xAE80] =	vst v63  }
0x3a: {  	_ =	swait.ge [sflag:s18], $0x800  }
0x3b: {  	[sflag:s18] =	ssyncset.done $0x0  }
.Ltmp0:
0x3c: {  	s25 =	sadd.s32 $0x2880, s24;
	[sflag:s18] =	ssyncadd.s32 $0xFFFFF800;
	(pc) =	sbr.rel @p0 .LBB2_2-.Ltmp0, $4  }
0x3d: {  	[spmem:s2] =	stream.indirect.scatter.add.f32 [tilespmem:s16], [sflag:$0x3], $0x10, s25, s14, $0xb8;
	[tilespmem:$0xAE80] =	vst v63  }
0x3e: {  	_ =	swait.ge [sflag:s10], $0x800  }
0x3f: {  	[sflag:s10] =	ssyncset.done $0x0  }
0x40: {  	s24 =	sadd.s32 $0x180, s24;
	[sflag:s10] =	ssyncadd.s32 $0xFFFFF800  }
0x41: {  	[tilespmem:s16], [sflag:$0x2] =	stream.indirect.gather [hbm4b:s4+s14], $0x10, s24, s14, $0xb8;
	[tilespmem:$0xAE80] =	vst v63  }
0x42: {  	_ =	swait.ge [sflag:s17], $0x800  }
0x43: {  	[sflag:s17] =	ssyncset.done $0x0  }
0x44: {  	[sflag:s17] =	ssyncadd.s32 $0xFFFFF800  }
0x45: {  	[spmem:s2] =	stream.indirect.scatter.add.f32 [tilespmem:s15], [sflag:$0x3], $0x10, s19, s14, $0xb8;
	[tilespmem:$0xAE80] =	vst v63  }
0x46: {  	_ =	swait.ge [sflag:s10], $0x800  }
0x47: {  	[sflag:s10] =	ssyncset.done $0x0  }
0x48: {  	[sflag:s10] =	ssyncadd.s32 $0xFFFFF800  }
0x49: {  	_ =	swait.ge [sflag:s18], $0x800  }
0x4a: {  	[sflag:s18] =	ssyncset.done $0x0  }
0x4b: {  	[sflag:s18] =	ssyncadd.s32 $0xFFFFF800  }
0x4c: {  	[spmem:s2] =	stream.indirect.scatter.add.f32 [tilespmem:s16], [sflag:$0x3], $0x10, s20, s14, $0xb8;
	[tilespmem:$0xAE80] =	vst v63  }
0x4d: {  	_ =	swait.ge [sflag:s10], $0x800  }
0x4e: {  	s22 =	sadd.s32 $0x1, s22;
	[sflag:s10] =	ssyncset.done $0x0  }
0x4f: {  	p0 =	sne.s32 s22, s9;
	[sflag:s10] =	ssyncadd.s32 $0xFFFFF800  }
.Ltmp1:
0x50: {  	[bflag:$0x0] =	sbarrier.arrive $0xFFFF;
	(pc) =	sbr.rel @p0 .LBB2_1-.Ltmp1, $4  }
0x51: {  	[hbm:s8@s21], [sflag:s12] =	dma.strided [spmem:s13@s18], $0x9D0, s17, $0x2   }
0x52: {  	_ =	swait.ge [sflag:s10], $0x9D0  }
0x53: {  	[sflag:s10] =	ssyncset.done $0x0  }
0x54: {  	[sflag:s10] =	ssyncadd.s32 $0xFFFFF630  }
0x55: {  	_ =	sfence.sel $0x180000  }
0x56: {  	[bflag:$0x0] =	sbarrier.arrive $0xFFFF  }
0x57: {  	p0 =	sne.s32 s1, $0x0;
	_ =	strace $0x90000047  }
0x58: {  	s0 =	sadd.s32 @!p0 $0x100000, s0;
	[bflag:$0x2] =	sbarrier.arrive $0xFFFF  }
0x59: {  	[sflag:s0] =	ssyncadd.tile.s32 @!p0 $0x1;
	_ =	shalt  }
.Lfunc_end2:
_tile_overlayer_lowered:
.L_overlay_start_2:
0x5a: {  	(tag) =	ssettag $0x2  }
0x5b: {  	s0 =	rddreg [dreg:$0x0];
	s2 =	stileid.u32  }
0x5c: {  	s1 =	rddreg [dreg:$0x1];
	p0 =	sne.s32 s2, $0x0  }
0x5d: {  	s3 =	rddreg [dreg:$0x2];
	[bflag:$0x3] =	sbarrier.arrive $0xFFFF;
	s2 =	simm.s32 @!p0 $0x1C03  }
0x5e: {  	[timem:s3], [sflag:s2] =	dma.local @!p0 [hbm:s0], s1  }
0x5f: {  	s0 =	simm.s32 @!p0 $0x3  }
0x60: {  	_ =	swait.ge @!p0 [sflag:s0], s1  }
0x61: {  	s1 =	ssub.s32 @!p0 $0x0, s1;
	[sflag:s0] =	ssyncset.done @!p0 $0x0  }
0x62: {  	[sflag:s0] =	ssyncadd.s32 @!p0 s1  }
0x63: {  	[bflag:$0x3] =	sbarrier.arrive $0xFFFF  }
0x64: {  	_ =	shalt  }

</sc_bundles>
